<compile_context>
chip_gen: v7x
topology: tpu7x:2x2x1
jax: 0.10.2.dev20260603
libtpu: 0.0.44.dev20260713+nightly
codegen_flags: <defaults>
</compile_context>

<pallas_src>
import functools

import jax
import jax.numpy as jnp
from jax import lax
from jax.experimental import pallas as pl
from jax.experimental.pallas import tpu as pltpu
from jax.experimental.pallas import tpu_sc as plsc

N = 10000
E = 160000
D = 256
H = 128
NS = 16
K = 80
EPT = E // NS
NCH = EPT // K
RPT = 1000
BN = 1000



def _make_agg():
    scratch = [
        pltpu.VMEM((NCH, K), jnp.int32),
        pltpu.VMEM((NCH, K), jnp.int32),
        pltpu.VMEM((K, H), jnp.float32),
        pltpu.VMEM_SHARED((N, H), jnp.float32),
    ]

    def body(hcat, src2, dst2, zrow, agg_o, src_v, dst_v, rows_v, agg_sh):
        c = lax.axis_index("c")
        s = lax.axis_index("s")

        pltpu.sync_copy(src2.at[s], src_v)
        pltpu.sync_copy(dst2.at[s], dst_v)
        @pl.when(s < N // RPT)
        def _():
            pltpu.sync_copy(zrow, agg_sh.at[pl.ds(s * RPT, RPT)])

        delta = c * N

        def adj(j, carry):
            for r in range(K // 16):
                sl = pl.ds(r * 16, 16)
                src_v[j, sl] = src_v[j, sl] + delta
            return carry

        lax.fori_loop(0, NCH, adj, 0)
        plsc.subcore_barrier()

        def step(j, carry):
            pltpu.sync_copy(hcat.at[src_v.at[j]], rows_v)
            pltpu.sync_copy(rows_v, agg_sh.at[dst_v.at[j]], add=True)
            return carry

        lax.fori_loop(0, NCH, step, 0)
        plsc.subcore_barrier()

        @pl.when(s < N // RPT)
        def _():
            off = pl.multiple_of(c * N + s * RPT, RPT)
            pltpu.sync_copy(agg_sh.at[pl.ds(s * RPT, RPT)],
                            agg_o.at[pl.ds(off, RPT)])

    mesh = plsc.VectorSubcoreMesh(core_axis_name="c", subcore_axis_name="s")
    return pl.kernel(body,
                     out_type=jax.ShapeDtypeStruct((2 * N, H), jnp.float32),
                     mesh=mesh, scratch_types=scratch)


def _make_cnt():
    scratch = [
        pltpu.VMEM((NCH, K), jnp.int32),
        pltpu.VMEM((K, H), jnp.float32),
        pltpu.VMEM_SHARED((N, H), jnp.float32),
    ]

    def body(dst2, zrow, ones_h, cnt_o, dst_v, ones_v, cnt_sh):
        c = lax.axis_index("c")
        s = lax.axis_index("s")

        @pl.when(c == 0)
        def _():
            pltpu.sync_copy(dst2.at[s], dst_v)
            pltpu.sync_copy(ones_h, ones_v)
            @pl.when(s < N // RPT)
            def _():
                pltpu.sync_copy(zrow, cnt_sh.at[pl.ds(s * RPT, RPT)])

        plsc.subcore_barrier()

        @pl.when(c == 0)
        def _():
            def step(j, carry):
                pltpu.sync_copy(ones_v, cnt_sh.at[dst_v.at[j]], add=True)
                return carry

            lax.fori_loop(0, NCH, step, 0)

        plsc.subcore_barrier()

        @pl.when((c == 0) & (s < N // RPT))
        def _():
            pltpu.sync_copy(cnt_sh.at[pl.ds(s * RPT, RPT)],
                            cnt_o.at[pl.ds(s * RPT, RPT)])

    mesh = plsc.VectorSubcoreMesh(core_axis_name="c", subcore_axis_name="s")
    return pl.kernel(body,
                     out_type=jax.ShapeDtypeStruct((N, H), jnp.float32),
                     mesh=mesh, scratch_types=scratch)


@functools.cache
def _get_agg():
    return _make_agg()


@functools.cache
def _get_cnt():
    return _make_cnt()



def _mean_halves(aggc_ref, cnt_ref):
    inv = 1.0 / jnp.maximum(cnt_ref[:, 0:1], 1.0)
    return aggc_ref[0] * inv, aggc_ref[1] * inv


def _sage_out(m0, m1, h0, h1, WlT, bl, WrT, lo, hi):
    acc = (jnp.dot(m0, WlT[:H, lo:hi], preferred_element_type=jnp.float32)
           + jnp.dot(m1, WlT[H:, lo:hi], preferred_element_type=jnp.float32)
           + jnp.dot(h0, WrT[:H, lo:hi], preferred_element_type=jnp.float32)
           + jnp.dot(h1, WrT[H:, lo:hi], preferred_element_type=jnp.float32))
    return jnp.maximum(acc + bl[:, lo:hi], 0.0)


def _layer_body(aggc_ref, cnt_ref, hc_ref, WlT_ref, bl_ref, WrT_ref, o_ref):
    m0, m1 = _mean_halves(aggc_ref, cnt_ref)
    h0, h1 = hc_ref[0], hc_ref[1]
    WlT, bl, WrT = WlT_ref[...], bl_ref[...], WrT_ref[...]
    o_ref[0] = _sage_out(m0, m1, h0, h1, WlT, bl, WrT, 0, H)
    o_ref[1] = _sage_out(m0, m1, h0, h1, WlT, bl, WrT, H, D)


def _final_body(aggc_ref, cnt_ref, hc_ref, WlT_ref, bl_ref, WrT_ref,
                Wp1T_ref, bp1_ref, Wp2T_ref, bp2_ref, out_ref):
    m0, m1 = _mean_halves(aggc_ref, cnt_ref)
    h0, h1 = hc_ref[0], hc_ref[1]
    WlT, bl, WrT = WlT_ref[...], bl_ref[...], WrT_ref[...]
    g0 = _sage_out(m0, m1, h0, h1, WlT, bl, WrT, 0, H)
    g1 = _sage_out(m0, m1, h0, h1, WlT, bl, WrT, H, D)
    Wp1T = Wp1T_ref[...]
    p = (jnp.dot(g0, Wp1T[:H, :], preferred_element_type=jnp.float32)
         + jnp.dot(g1, Wp1T[H:, :], preferred_element_type=jnp.float32)
         + bp1_ref[...])
    q = (jnp.dot(p, Wp2T_ref[...], preferred_element_type=jnp.float32)
         + bp2_ref[...])
    m = jnp.max(q, axis=1, keepdims=True)
    lse = m + jnp.log(jnp.sum(jnp.exp(q - m), axis=1, keepdims=True))
    out_ref[...] = q - lse


def _half_spec():
    return pl.BlockSpec((2, BN, H), lambda i: (0, i, 0))


def _node_spec(w):
    return pl.BlockSpec((BN, w), lambda i: (i, 0))


def _full_spec(r, c):
    return pl.BlockSpec((r, c), lambda i: (0, 0))


_layer_tc = pl.pallas_call(
    _layer_body,
    grid=(N // BN,),
    in_specs=[
        _half_spec(), _node_spec(H), _half_spec(),
        _full_spec(D, D), _full_spec(1, D), _full_spec(D, D),
    ],
    out_specs=_half_spec(),
    out_shape=jax.ShapeDtypeStruct((2, N, H), jnp.float32),
)

_final_tc = pl.pallas_call(
    _final_body,
    grid=(N // BN,),
    in_specs=[
        _half_spec(), _node_spec(H), _half_spec(),
        _full_spec(D, D), _full_spec(1, D), _full_spec(D, D),
        _full_spec(D, D), _full_spec(1, D),
        _full_spec(D, H), _full_spec(1, H),
    ],
    out_specs=_node_spec(H),
    out_shape=jax.ShapeDtypeStruct((N, H), jnp.float32),
)



def kernel(x, edge_index, Wl0, bl0, Wr0, Wl1, bl1, Wr1, Wl2, bl2, Wr2,
           Wp1, bp1, Wp2, bp2):
    ei = edge_index.astype(jnp.int32)
    src2 = ei[0].reshape(NS, NCH, K)
    dst2 = ei[1].reshape(NS, NCH, K)
    xcat = jnp.concatenate([x[:, :H], x[:, H:]], axis=0)
    zrow = jnp.zeros((RPT, H), jnp.float32)
    ones_h = jnp.ones((K, H), jnp.float32)

    agg_sc = _get_agg()
    cnt = _get_cnt()(dst2, zrow, ones_h)
    aggc = agg_sc(xcat, src2, dst2, zrow)
    h = _layer_tc(aggc.reshape(2, N, H), cnt, xcat.reshape(2, N, H),
                  Wl0.T, bl0.reshape(1, D), Wr0.T)
    aggc = agg_sc(h.reshape(2 * N, H), src2, dst2, zrow)
    h2 = _layer_tc(aggc.reshape(2, N, H), cnt, h,
                   Wl1.T, bl1.reshape(1, D), Wr1.T)
    aggc = agg_sc(h2.reshape(2 * N, H), src2, dst2, zrow)
    return _final_tc(aggc.reshape(2, N, H), cnt, h2,
                     Wl2.T, bl2.reshape(1, D), Wr2.T,
                     Wp1.T, bp1.reshape(1, D),
                     Wp2.T, bp2.reshape(1, H))

# --- scband reference (transcript-rebuilt; emitter-appended) ---
"""Pipeline reference for scband-gnnstack-68075231641874 (READ-ONLY COPY).

The authoritative reference and input builder live on the scoring server;
editing this copy changes nothing except your own understanding.
"""

import jax, jax.numpy as jnp
import numpy as np

N = 10000
E = 160000
D_IN = 256
D_H = 256
D_OUT = 128


def _glorot(key, shape):
    fan_in, fan_out = shape[1], shape[0]
    lim = np.sqrt(6.0 / (fan_in + fan_out))
    return jax.random.uniform(key, shape, jnp.float32, -lim, lim)


def setup_inputs(seed: int = 0) -> dict:
    key = jax.random.key(seed)
    ks = jax.random.split(key, 20)
    inp = {}
    inp['x'] = jax.random.normal(ks[0], (N, D_IN), jnp.float32)
    inp['edge_index'] = jax.random.randint(ks[1], (2, E), 0, N, jnp.int64)
    dims = [(D_IN, D_H), (D_H, D_H), (D_H, D_H)]
    for i, (din, dout) in enumerate(dims):
        inp[f'Wl{i}'] = _glorot(ks[2 + 3 * i], (dout, din))
        inp[f'bl{i}'] = jnp.zeros((dout,), jnp.float32)
        inp[f'Wr{i}'] = _glorot(ks[3 + 3 * i], (dout, din))
    inp['Wp1'] = _glorot(ks[12], (D_H, D_H))
    inp['bp1'] = jnp.zeros((D_H,), jnp.float32)
    inp['Wp2'] = _glorot(ks[13], (D_OUT, D_H))
    inp['bp2'] = jnp.zeros((D_OUT,), jnp.float32)
    return inp


def _sage_conv(x, edge_index, Wl, bl, Wr):
    src = edge_index[0]
    dst = edge_index[1]
    msgs = jnp.take(x, src, axis=0)
    agg = jax.ops.segment_sum(msgs, dst, num_segments=x.shape[0])
    cnt = jax.ops.segment_sum(jnp.ones((edge_index.shape[1],), x.dtype), dst, num_segments=x.shape[0])
    mean = agg / jnp.clip(cnt, 1.0, None)[:, None]
    # SAGEConv: lin_l applied to aggregated neighbors (with bias), lin_r to root (no bias)
    return mean @ Wl.T + bl + x @ Wr.T


def reference(x, edge_index, Wl0, bl0, Wr0, Wl1, bl1, Wr1, Wl2, bl2, Wr2, Wp1, bp1, Wp2, bp2):
    params = [(Wl0, bl0, Wr0), (Wl1, bl1, Wr1), (Wl2, bl2, Wr2)]
    h = x
    for (Wl, bl, Wr) in params:
        h = _sage_conv(h, edge_index, Wl, bl, Wr)
        h = jax.nn.relu(h)
        # dropout is identity in eval mode (training=False)
    h = h @ Wp1.T + bp1
    h = h @ Wp2.T + bp2
    return jax.nn.log_softmax(h, axis=1)

if __name__ == "__main__":
    import jax
    _d = setup_inputs()
    print(jax.jit(kernel)(*tuple(_d.values())))

</pallas_src>

<mosaic_0001>
#map = affine_map<(d0, d1) -> (0, 0)>
#map1 = affine_map<(d0, d1) -> (0, 0, 0)>
module attributes {stable_mosaic.version = 14 : i64} {
  func.func @body(%arg0: i32, %arg1: i32, %arg2: memref<20000x128xf32, #tpu.memory_space<hbm>>, %arg3: memref<16x125x80xi32, #tpu.memory_space<hbm>>, %arg4: memref<16x125x80xi32, #tpu.memory_space<hbm>>, %arg5: memref<1000x128xf32, #tpu.memory_space<hbm>>, %arg6: memref<20000x128xf32, #tpu.memory_space<hbm>>, %arg7: memref<125x80xi32, #tpu.memory_space<vmem>>, %arg8: memref<125x80xi32, #tpu.memory_space<vmem>>, %arg9: memref<80x128xf32, #tpu.memory_space<vmem>>, %arg10: memref<10000x128xf32, #tpu.memory_space<vmem_shared>>) attributes {dimension_semantics = [#tpu.dimension_semantics<core_parallel>, #tpu.dimension_semantics<subcore_parallel>], iteration_bounds = array<i64: 2, 16>, scalar_prefetch = 0 : i64, scratch_operands = 4 : i64, tpu.core_type = #tpu.core_type<sc_vector_subcore>, window_params = [{transform_indices = #map}, {transform_indices = #map1}, {transform_indices = #map1}, {transform_indices = #map}, {transform_indices = #map}]} {
    "tpu.region"() ({
      %run_scoped3A = tpu.sem_alloc : memref<!tpu.dma_semaphore, #tpu.memory_space<semaphore_mem>>
      %dma_start3A = arith.constant 0 : i32
      %dma_start3A_20 = arith.constant 0 : i32
      %dma_start3A_21 = tpu.memref_slice %arg3[%arg1, %dma_start3A, %dma_start3A_20] : memref<16x125x80xi32, #tpu.memory_space<hbm>> -> memref<1x125x80xi32, #tpu.memory_space<hbm>>
      %dma_start3A_22 = tpu.memref_squeeze %dma_start3A_21 : memref<1x125x80xi32, #tpu.memory_space<hbm>> -> memref<125x80xi32, #tpu.memory_space<hbm>>
      %dma_start3A_23 = arith.constant 0 : i32
      %dma_start3A_24 = arith.constant 0 : i32
      %dma_start3A_25 = tpu.memref_slice %arg3[%arg1, %dma_start3A_23, %dma_start3A_24] : memref<16x125x80xi32, #tpu.memory_space<hbm>> -> memref<1x125x80xi32, #tpu.memory_space<hbm>>
      %dma_start3A_26 = tpu.memref_squeeze %dma_start3A_25 : memref<1x125x80xi32, #tpu.memory_space<hbm>> -> memref<125x80xi32, #tpu.memory_space<hbm>>
      tpu.enqueue_dma source(%dma_start3A_26 : memref<125x80xi32, #tpu.memory_space<hbm>>) target(%arg7 : memref<125x80xi32, #tpu.memory_space<vmem>>) target_semaphore(%run_scoped3A : memref<!tpu.dma_semaphore, #tpu.memory_space<semaphore_mem>>)
      %dma_wait3A = arith.constant 0 : i32
      %dma_wait3A_27 = arith.constant 0 : i32
      %dma_wait3A_28 = tpu.memref_slice %arg3[%arg1, %dma_wait3A, %dma_wait3A_27] : memref<16x125x80xi32, #tpu.memory_space<hbm>> -> memref<1x125x80xi32, #tpu.memory_space<hbm>>
      %dma_wait3A_29 = tpu.memref_squeeze %dma_wait3A_28 : memref<1x125x80xi32, #tpu.memory_space<hbm>> -> memref<125x80xi32, #tpu.memory_space<hbm>>
      %dma_wait3A_30 = arith.constant 0 : i32
      %dma_wait3A_31 = arith.constant 0 : i32
      %dma_wait3A_32 = tpu.memref_slice %arg3[%arg1, %dma_wait3A_30, %dma_wait3A_31] : memref<16x125x80xi32, #tpu.memory_space<hbm>> -> memref<1x125x80xi32, #tpu.memory_space<hbm>>
      %dma_wait3A_33 = tpu.memref_squeeze %dma_wait3A_32 : memref<1x125x80xi32, #tpu.memory_space<hbm>> -> memref<125x80xi32, #tpu.memory_space<hbm>>
      tpu.wait_dma2 semaphore(%run_scoped3A : memref<!tpu.dma_semaphore, #tpu.memory_space<semaphore_mem>>) src(%dma_wait3A_33 : memref<125x80xi32, #tpu.memory_space<hbm>>) dst(%arg7 : memref<125x80xi32, #tpu.memory_space<vmem>>)
      tpu.yield
    }) : () -> ()
    "tpu.region"() ({
      %run_scoped3A = tpu.sem_alloc : memref<!tpu.dma_semaphore, #tpu.memory_space<semaphore_mem>>
      %dma_start3A = arith.constant 0 : i32
      %dma_start3A_20 = arith.constant 0 : i32
      %dma_start3A_21 = tpu.memref_slice %arg4[%arg1, %dma_start3A, %dma_start3A_20] : memref<16x125x80xi32, #tpu.memory_space<hbm>> -> memref<1x125x80xi32, #tpu.memory_space<hbm>>
      %dma_start3A_22 = tpu.memref_squeeze %dma_start3A_21 : memref<1x125x80xi32, #tpu.memory_space<hbm>> -> memref<125x80xi32, #tpu.memory_space<hbm>>
      %dma_start3A_23 = arith.constant 0 : i32
      %dma_start3A_24 = arith.constant 0 : i32
      %dma_start3A_25 = tpu.memref_slice %arg4[%arg1, %dma_start3A_23, %dma_start3A_24] : memref<16x125x80xi32, #tpu.memory_space<hbm>> -> memref<1x125x80xi32, #tpu.memory_space<hbm>>
      %dma_start3A_26 = tpu.memref_squeeze %dma_start3A_25 : memref<1x125x80xi32, #tpu.memory_space<hbm>> -> memref<125x80xi32, #tpu.memory_space<hbm>>
      tpu.enqueue_dma source(%dma_start3A_26 : memref<125x80xi32, #tpu.memory_space<hbm>>) target(%arg8 : memref<125x80xi32, #tpu.memory_space<vmem>>) target_semaphore(%run_scoped3A : memref<!tpu.dma_semaphore, #tpu.memory_space<semaphore_mem>>)
      %dma_wait3A = arith.constant 0 : i32
      %dma_wait3A_27 = arith.constant 0 : i32
      %dma_wait3A_28 = tpu.memref_slice %arg4[%arg1, %dma_wait3A, %dma_wait3A_27] : memref<16x125x80xi32, #tpu.memory_space<hbm>> -> memref<1x125x80xi32, #tpu.memory_space<hbm>>
      %dma_wait3A_29 = tpu.memref_squeeze %dma_wait3A_28 : memref<1x125x80xi32, #tpu.memory_space<hbm>> -> memref<125x80xi32, #tpu.memory_space<hbm>>
      %dma_wait3A_30 = arith.constant 0 : i32
      %dma_wait3A_31 = arith.constant 0 : i32
      %dma_wait3A_32 = tpu.memref_slice %arg4[%arg1, %dma_wait3A_30, %dma_wait3A_31] : memref<16x125x80xi32, #tpu.memory_space<hbm>> -> memref<1x125x80xi32, #tpu.memory_space<hbm>>
      %dma_wait3A_33 = tpu.memref_squeeze %dma_wait3A_32 : memref<1x125x80xi32, #tpu.memory_space<hbm>> -> memref<125x80xi32, #tpu.memory_space<hbm>>
      tpu.wait_dma2 semaphore(%run_scoped3A : memref<!tpu.dma_semaphore, #tpu.memory_space<semaphore_mem>>) src(%dma_wait3A_33 : memref<125x80xi32, #tpu.memory_space<hbm>>) dst(%arg8 : memref<125x80xi32, #tpu.memory_space<vmem>>)
      tpu.yield
    }) : () -> ()
    %lt3A = arith.constant 10 : i32
    %lt3A_0 = arith.cmpi slt, %arg1, %lt3A : i32
    %convert_element_type3A = arith.extui %lt3A_0 : i1 to i32
    %cond3A = arith.constant 0 : i32
    %cond3A_1 = arith.cmpi ne, %convert_element_type3A, %cond3A : i32
    scf.if %cond3A_1 {
      %mul3A_20 = arith.constant 1000 : i32
      %mul3A_21 = arith.muli %arg1, %mul3A_20 : i32
      "tpu.region"() ({
        %run_scoped3A = tpu.sem_alloc : memref<!tpu.dma_semaphore, #tpu.memory_space<semaphore_mem>>
        %dma_start3A = arith.constant 0 : i32
        %dma_start3A_22 = tpu.memref_slice %arg10[%mul3A_21, %dma_start3A] : memref<10000x128xf32, #tpu.memory_space<vmem_shared>> -> memref<1000x128xf32, #tpu.memory_space<vmem_shared>>
        tpu.enqueue_dma source(%arg5 : memref<1000x128xf32, #tpu.memory_space<hbm>>) target(%dma_start3A_22 : memref<1000x128xf32, #tpu.memory_space<vmem_shared>>) target_semaphore(%run_scoped3A : memref<!tpu.dma_semaphore, #tpu.memory_space<semaphore_mem>>)
        %dma_wait3A = arith.constant 0 : i32
        %dma_wait3A_23 = tpu.memref_slice %arg10[%mul3A_21, %dma_wait3A] : memref<10000x128xf32, #tpu.memory_space<vmem_shared>> -> memref<1000x128xf32, #tpu.memory_space<vmem_shared>>
        tpu.wait_dma2 semaphore(%run_scoped3A : memref<!tpu.dma_semaphore, #tpu.memory_space<semaphore_mem>>) src(%arg5 : memref<1000x128xf32, #tpu.memory_space<hbm>>) dst(%dma_wait3A_23 : memref<1000x128xf32, #tpu.memory_space<vmem_shared>>)
        tpu.yield
      }) : () -> ()
    } else {
    }
    %mul3A = arith.constant 10000 : i32
    %mul3A_2 = arith.muli %arg0, %mul3A : i32
    %scan3A = arith.constant 0 : i32
    %scan3A_3 = arith.constant 0 : i32
    %scan3A_4 = arith.constant 125 : i32
    %scan3A_5 = arith.addi %scan3A_3, %scan3A_4 : i32
    %scan3A_6 = arith.constant 1 : i32
    scf.for %scan3A_20 = %scan3A_3 to %scan3A_5 step %scan3A_6  : i32 {
      %get3A = arith.index_cast %scan3A_20 : i32 to index
      %get3A_21 = arith.constant 0 : index
      %get3A_22 = tpu.vector_load %arg7[%get3A, %get3A_21] {strides = array<i32>} : memref<125x80xi32, #tpu.memory_space<vmem>>, vector<1x16xi32>,
      %get3A_23 = vector.shape_cast %get3A_22 : vector<1x16xi32> to vector<16xi32>
      %add3A = vector.broadcast %mul3A_2 : i32 to vector<16xi32>
      %add3A_24 = arith.addi %get3A_23, %add3A : vector<16xi32>
      %swap3A = arith.index_cast %scan3A_20 : i32 to index
      %swap3A_25 = arith.constant 0 : index
      %swap3A_26 = tpu.vector_load %arg7[%swap3A, %swap3A_25] {strides = array<i32>} : memref<125x80xi32, #tpu.memory_space<vmem>>, vector<1x16xi32>,
      %swap3A_27 = vector.shape_cast %swap3A_26 : vector<1x16xi32> to vector<16xi32>
      %swap3A_28 = vector.shape_cast %add3A_24 : vector<16xi32> to vector<1x16xi32>
      tpu.vector_store %arg7[%swap3A, %swap3A_25], %swap3A_28 {strides = array<i32>} : memref<125x80xi32, #tpu.memory_space<vmem>>, vector<1x16xi32>,
      %get3A_29 = arith.index_cast %scan3A_20 : i32 to index
      %get3A_30 = arith.constant 16 : index
      %get3A_31 = tpu.vector_load %arg7[%get3A_29, %get3A_30] {strides = array<i32>} : memref<125x80xi32, #tpu.memory_space<vmem>>, vector<1x16xi32>,
      %get3A_32 = vector.shape_cast %get3A_31 : vector<1x16xi32> to vector<16xi32>
      %add3A_33 = vector.broadcast %mul3A_2 : i32 to vector<16xi32>
      %add3A_34 = arith.addi %get3A_32, %add3A_33 : vector<16xi32>
      %swap3A_35 = arith.index_cast %scan3A_20 : i32 to index
      %swap3A_36 = arith.constant 16 : index
      %swap3A_37 = tpu.vector_load %arg7[%swap3A_35, %swap3A_36] {strides = array<i32>} : memref<125x80xi32, #tpu.memory_space<vmem>>, vector<1x16xi32>,
      %swap3A_38 = vector.shape_cast %swap3A_37 : vector<1x16xi32> to vector<16xi32>
      %swap3A_39 = vector.shape_cast %add3A_34 : vector<16xi32> to vector<1x16xi32>
      tpu.vector_store %arg7[%swap3A_35, %swap3A_36], %swap3A_39 {strides = array<i32>} : memref<125x80xi32, #tpu.memory_space<vmem>>, vector<1x16xi32>,
      %get3A_40 = arith.index_cast %scan3A_20 : i32 to index
      %get3A_41 = arith.constant 32 : index
      %get3A_42 = tpu.vector_load %arg7[%get3A_40, %get3A_41] {strides = array<i32>} : memref<125x80xi32, #tpu.memory_space<vmem>>, vector<1x16xi32>,
      %get3A_43 = vector.shape_cast %get3A_42 : vector<1x16xi32> to vector<16xi32>
      %add3A_44 = vector.broadcast %mul3A_2 : i32 to vector<16xi32>
      %add3A_45 = arith.addi %get3A_43, %add3A_44 : vector<16xi32>
      %swap3A_46 = arith.index_cast %scan3A_20 : i32 to index
      %swap3A_47 = arith.constant 32 : index
      %swap3A_48 = tpu.vector_load %arg7[%swap3A_46, %swap3A_47] {strides = array<i32>} : memref<125x80xi32, #tpu.memory_space<vmem>>, vector<1x16xi32>,
      %swap3A_49 = vector.shape_cast %swap3A_48 : vector<1x16xi32> to vector<16xi32>
      %swap3A_50 = vector.shape_cast %add3A_45 : vector<16xi32> to vector<1x16xi32>
      tpu.vector_store %arg7[%swap3A_46, %swap3A_47], %swap3A_50 {strides = array<i32>} : memref<125x80xi32, #tpu.memory_space<vmem>>, vector<1x16xi32>,
      %get3A_51 = arith.index_cast %scan3A_20 : i32 to index
      %get3A_52 = arith.constant 48 : index
      %get3A_53 = tpu.vector_load %arg7[%get3A_51, %get3A_52] {strides = array<i32>} : memref<125x80xi32, #tpu.memory_space<vmem>>, vector<1x16xi32>,
      %get3A_54 = vector.shape_cast %get3A_53 : vector<1x16xi32> to vector<16xi32>
      %add3A_55 = vector.broadcast %mul3A_2 : i32 to vector<16xi32>
      %add3A_56 = arith.addi %get3A_54, %add3A_55 : vector<16xi32>
      %swap3A_57 = arith.index_cast %scan3A_20 : i32 to index
      %swap3A_58 = arith.constant 48 : index
      %swap3A_59 = tpu.vector_load %arg7[%swap3A_57, %swap3A_58] {strides = array<i32>} : memref<125x80xi32, #tpu.memory_space<vmem>>, vector<1x16xi32>,
      %swap3A_60 = vector.shape_cast %swap3A_59 : vector<1x16xi32> to vector<16xi32>
      %swap3A_61 = vector.shape_cast %add3A_56 : vector<16xi32> to vector<1x16xi32>
      tpu.vector_store %arg7[%swap3A_57, %swap3A_58], %swap3A_61 {strides = array<i32>} : memref<125x80xi32, #tpu.memory_space<vmem>>, vector<1x16xi32>,
      %get3A_62 = arith.index_cast %scan3A_20 : i32 to index
      %get3A_63 = arith.constant 64 : index
      %get3A_64 = tpu.vector_load %arg7[%get3A_62, %get3A_63] {strides = array<i32>} : memref<125x80xi32, #tpu.memory_space<vmem>>, vector<1x16xi32>,
      %get3A_65 = vector.shape_cast %get3A_64 : vector<1x16xi32> to vector<16xi32>
      %add3A_66 = vector.broadcast %mul3A_2 : i32 to vector<16xi32>
      %add3A_67 = arith.addi %get3A_65, %add3A_66 : vector<16xi32>
      %swap3A_68 = arith.index_cast %scan3A_20 : i32 to index
      %swap3A_69 = arith.constant 64 : index
      %swap3A_70 = tpu.vector_load %arg7[%swap3A_68, %swap3A_69] {strides = array<i32>} : memref<125x80xi32, #tpu.memory_space<vmem>>, vector<1x16xi32>,
      %swap3A_71 = vector.shape_cast %swap3A_70 : vector<1x16xi32> to vector<16xi32>
      %swap3A_72 = vector.shape_cast %add3A_67 : vector<16xi32> to vector<1x16xi32>
      tpu.vector_store %arg7[%swap3A_68, %swap3A_69], %swap3A_72 {strides = array<i32>} : memref<125x80xi32, #tpu.memory_space<vmem>>, vector<1x16xi32>,
    }
    %scan3A_7 = arith.constant 125 : i32
    %barrier3A = arith.constant 0 : index
    tpu.barrier barrier_id(%barrier3A)
    %scan3A_8 = arith.constant 0 : i32
    %scan3A_9 = arith.constant 0 : i32
    %scan3A_10 = arith.constant 125 : i32
    %scan3A_11 = arith.addi %scan3A_9, %scan3A_10 : i32
    %scan3A_12 = arith.constant 1 : i32
    scf.for %scan3A_20 = %scan3A_9 to %scan3A_11 step %scan3A_12  : i32 {
      "tpu.region"() ({
        %run_scoped3A = tpu.sem_alloc : memref<!tpu.dma_semaphore, #tpu.memory_space<semaphore_mem>>
        %dma_start3A = arith.constant 0 : i32
        %dma_start3A_21 = tpu.memref_slice %arg7[%scan3A_20, %dma_start3A] : memref<125x80xi32, #tpu.memory_space<vmem>> -> memref<1x80xi32, #tpu.memory_space<vmem>>
        %dma_start3A_22 = tpu.memref_squeeze %dma_start3A_21 : memref<1x80xi32, #tpu.memory_space<vmem>> -> memref<80xi32, #tpu.memory_space<vmem>>
        %dma_start3A_23 = arith.constant 0 : i32
        %dma_start3A_24 = arith.constant 0 : i32
        %dma_start3A_25 = tpu.memref_slice %arg2[%dma_start3A_23, %dma_start3A_24] : memref<20000x128xf32, #tpu.memory_space<hbm>> -> memref<20000x128xf32, #tpu.memory_space<hbm>>
        tpu.enqueue_indirect_dma source(%dma_start3A_25 : memref<20000x128xf32, #tpu.memory_space<hbm>>) target(%arg9 : memref<80x128xf32, #tpu.memory_space<vmem>>) offsets(%dma_start3A_22 : memref<80xi32, #tpu.memory_space<vmem>>) semaphore(%run_scoped3A : memref<!tpu.dma_semaphore, #tpu.memory_space<semaphore_mem>>)
        %dma_wait3A = arith.constant 0 : i32
        %dma_wait3A_26 = tpu.memref_slice %arg7[%scan3A_20, %dma_wait3A] : memref<125x80xi32, #tpu.memory_space<vmem>> -> memref<1x80xi32, #tpu.memory_space<vmem>>
        %dma_wait3A_27 = tpu.memref_squeeze %dma_wait3A_26 : memref<1x80xi32, #tpu.memory_space<vmem>> -> memref<80xi32, #tpu.memory_space<vmem>>
        %dma_wait3A_28 = arith.constant 0 : i32
        %dma_wait3A_29 = arith.constant 0 : i32
        %dma_wait3A_30 = tpu.memref_slice %arg2[%dma_wait3A_28, %dma_wait3A_29] : memref<20000x128xf32, #tpu.memory_space<hbm>> -> memref<20000x128xf32, #tpu.memory_space<hbm>>
        tpu.wait_indirect_dma semaphore(%run_scoped3A : memref<!tpu.dma_semaphore, #tpu.memory_space<semaphore_mem>>) src(%dma_wait3A_30 : memref<20000x128xf32, #tpu.memory_space<hbm>>) dst(%arg9 : memref<80x128xf32, #tpu.memory_space<vmem>>)
        tpu.yield
      }) : () -> ()
      "tpu.region"() ({
        %run_scoped3A = tpu.sem_alloc : memref<!tpu.dma_semaphore, #tpu.memory_space<semaphore_mem>>
        %dma_start3A = arith.constant 0 : i32
        %dma_start3A_21 = tpu.memref_slice %arg8[%scan3A_20, %dma_start3A] : memref<125x80xi32, #tpu.memory_space<vmem>> -> memref<1x80xi32, #tpu.memory_space<vmem>>
        %dma_start3A_22 = tpu.memref_squeeze %dma_start3A_21 : memref<1x80xi32, #tpu.memory_space<vmem>> -> memref<80xi32, #tpu.memory_space<vmem>>
        %dma_start3A_23 = arith.constant 0 : i32
        %dma_start3A_24 = arith.constant 0 : i32
        %dma_start3A_25 = tpu.memref_slice %arg10[%dma_start3A_23, %dma_start3A_24] : memref<10000x128xf32, #tpu.memory_space<vmem_shared>> -> memref<10000x128xf32, #tpu.memory_space<vmem_shared>>
        tpu.enqueue_indirect_dma source(%arg9 : memref<80x128xf32, #tpu.memory_space<vmem>>) target(%dma_start3A_25 : memref<10000x128xf32, #tpu.memory_space<vmem_shared>>) offsets(%dma_start3A_22 : memref<80xi32, #tpu.memory_space<vmem>>) semaphore(%run_scoped3A : memref<!tpu.dma_semaphore, #tpu.memory_space<semaphore_mem>>) {add = true}
        %dma_wait3A = arith.constant 0 : i32
        %dma_wait3A_26 = tpu.memref_slice %arg8[%scan3A_20, %dma_wait3A] : memref<125x80xi32, #tpu.memory_space<vmem>> -> memref<1x80xi32, #tpu.memory_space<vmem>>
        %dma_wait3A_27 = tpu.memref_squeeze %dma_wait3A_26 : memref<1x80xi32, #tpu.memory_space<vmem>> -> memref<80xi32, #tpu.memory_space<vmem>>
        %dma_wait3A_28 = arith.constant 0 : i32
        %dma_wait3A_29 = arith.constant 0 : i32
        %dma_wait3A_30 = tpu.memref_slice %arg10[%dma_wait3A_28, %dma_wait3A_29] : memref<10000x128xf32, #tpu.memory_space<vmem_shared>> -> memref<10000x128xf32, #tpu.memory_space<vmem_shared>>
        tpu.wait_indirect_dma semaphore(%run_scoped3A : memref<!tpu.dma_semaphore, #tpu.memory_space<semaphore_mem>>) src(%arg9 : memref<80x128xf32, #tpu.memory_space<vmem>>) dst(%dma_wait3A_30 : memref<10000x128xf32, #tpu.memory_space<vmem_shared>>)
        tpu.yield
      }) : () -> ()
    }
    %scan3A_13 = arith.constant 125 : i32
    %barrier3A_14 = arith.constant 0 : index
    tpu.barrier barrier_id(%barrier3A_14)
    %lt3A_15 = arith.constant 10 : i32
    %lt3A_16 = arith.cmpi slt, %arg1, %lt3A_15 : i32
    %convert_element_type3A_17 = arith.extui %lt3A_16 : i1 to i32
    %cond3A_18 = arith.constant 0 : i32
    %cond3A_19 = arith.cmpi ne, %convert_element_type3A_17, %cond3A_18 : i32
    scf.if %cond3A_19 {
      %mul3A_20 = arith.constant 10000 : i32
      %mul3A_21 = arith.muli %arg0, %mul3A_20 : i32
      %mul3A_22 = arith.constant 1000 : i32
      %mul3A_23 = arith.muli %arg1, %mul3A_22 : i32
      %add3A = arith.addi %mul3A_21, %mul3A_23 : i32
      %multiple_of3A = tpu.assume_multiple %add3A, 1000 : i32
      %mul3A_24 = arith.constant 1000 : i32
      %mul3A_25 = arith.muli %arg1, %mul3A_24 : i32
      "tpu.region"() ({
        %run_scoped3A = tpu.sem_alloc : memref<!tpu.dma_semaphore, #tpu.memory_space<semaphore_mem>>
        %dma_start3A = arith.constant 0 : i32
        %dma_start3A_26 = tpu.memref_slice %arg6[%multiple_of3A, %dma_start3A] : memref<20000x128xf32, #tpu.memory_space<hbm>> -> memref<1000x128xf32, #tpu.memory_space<hbm>>
        %dma_start3A_27 = arith.constant 0 : i32
        %dma_start3A_28 = tpu.memref_slice %arg10[%mul3A_25, %dma_start3A_27] : memref<10000x128xf32, #tpu.memory_space<vmem_shared>> -> memref<1000x128xf32, #tpu.memory_space<vmem_shared>>
        tpu.enqueue_dma source(%dma_start3A_28 : memref<1000x128xf32, #tpu.memory_space<vmem_shared>>) target(%dma_start3A_26 : memref<1000x128xf32, #tpu.memory_space<hbm>>) target_semaphore(%run_scoped3A : memref<!tpu.dma_semaphore, #tpu.memory_space<semaphore_mem>>)
        %dma_wait3A = arith.constant 0 : i32
        %dma_wait3A_29 = tpu.memref_slice %arg6[%multiple_of3A, %dma_wait3A] : memref<20000x128xf32, #tpu.memory_space<hbm>> -> memref<1000x128xf32, #tpu.memory_space<hbm>>
        %dma_wait3A_30 = arith.constant 0 : i32
        %dma_wait3A_31 = tpu.memref_slice %arg10[%mul3A_25, %dma_wait3A_30] : memref<10000x128xf32, #tpu.memory_space<vmem_shared>> -> memref<1000x128xf32, #tpu.memory_space<vmem_shared>>
        tpu.wait_dma2 semaphore(%run_scoped3A : memref<!tpu.dma_semaphore, #tpu.memory_space<semaphore_mem>>) src(%dma_wait3A_31 : memref<1000x128xf32, #tpu.memory_space<vmem_shared>>) dst(%dma_wait3A_29 : memref<1000x128xf32, #tpu.memory_space<hbm>>)
        tpu.yield
      }) : () -> ()
    } else {
    }
    return
  }
}

#map = affine_map<(d0, d1) -> (0, 0)>
#map1 = affine_map<(d0, d1) -> (0, 0, 0)>
module attributes {stable_mosaic.version = 14 : i64} {
  func.func @body(%arg0: i32, %arg1: i32, %arg2: memref<20000x128xf32, #tpu.memory_space<hbm>>, %arg3: memref<16x125x80xi32, #tpu.memory_space<hbm>>, %arg4: memref<16x125x80xi32, #tpu.memory_space<hbm>>, %arg5: memref<1000x128xf32, #tpu.memory_space<hbm>>, %arg6: memref<20000x128xf32, #tpu.memory_space<hbm>>, %arg7: memref<125x80xi32, #tpu.memory_space<vmem>>, %arg8: memref<125x80xi32, #tpu.memory_space<vmem>>, %arg9: memref<80x128xf32, #tpu.memory_space<vmem>>, %arg10: memref<10000x128xf32, #tpu.memory_space<vmem_shared>>) attributes {dimension_semantics = [#tpu.dimension_semantics<core_parallel>, #tpu.dimension_semantics<subcore_parallel>], iteration_bounds = array<i64: 2, 16>, scalar_prefetch = 0 : i64, scratch_operands = 4 : i64, tpu.core_type = #tpu.core_type<sc_vector_subcore>, window_params = [{transform_indices = #map}, {transform_indices = #map1}, {transform_indices = #map1}, {transform_indices = #map}, {transform_indices = #map}]} {
    "tpu.region"() ({
      %run_scoped3A = tpu.sem_alloc : memref<!tpu.dma_semaphore, #tpu.memory_space<semaphore_mem>>
      %dma_start3A = arith.constant 0 : i32
      %dma_start3A_20 = arith.constant 0 : i32
      %dma_start3A_21 = tpu.memref_slice %arg3[%arg1, %dma_start3A, %dma_start3A_20] : memref<16x125x80xi32, #tpu.memory_space<hbm>> -> memref<1x125x80xi32, #tpu.memory_space<hbm>>
      %dma_start3A_22 = tpu.memref_squeeze %dma_start3A_21 : memref<1x125x80xi32, #tpu.memory_space<hbm>> -> memref<125x80xi32, #tpu.memory_space<hbm>>
      %dma_start3A_23 = arith.constant 0 : i32
      %dma_start3A_24 = arith.constant 0 : i32
      %dma_start3A_25 = tpu.memref_slice %arg3[%arg1, %dma_start3A_23, %dma_start3A_24] : memref<16x125x80xi32, #tpu.memory_space<hbm>> -> memref<1x125x80xi32, #tpu.memory_space<hbm>>
      %dma_start3A_26 = tpu.memref_squeeze %dma_start3A_25 : memref<1x125x80xi32, #tpu.memory_space<hbm>> -> memref<125x80xi32, #tpu.memory_space<hbm>>
      tpu.enqueue_dma source(%dma_start3A_26 : memref<125x80xi32, #tpu.memory_space<hbm>>) target(%arg7 : memref<125x80xi32, #tpu.memory_space<vmem>>) target_semaphore(%run_scoped3A : memref<!tpu.dma_semaphore, #tpu.memory_space<semaphore_mem>>)
      %dma_wait3A = arith.constant 0 : i32
      %dma_wait3A_27 = arith.constant 0 : i32
      %dma_wait3A_28 = tpu.memref_slice %arg3[%arg1, %dma_wait3A, %dma_wait3A_27] : memref<16x125x80xi32, #tpu.memory_space<hbm>> -> memref<1x125x80xi32, #tpu.memory_space<hbm>>
      %dma_wait3A_29 = tpu.memref_squeeze %dma_wait3A_28 : memref<1x125x80xi32, #tpu.memory_space<hbm>> -> memref<125x80xi32, #tpu.memory_space<hbm>>
      %dma_wait3A_30 = arith.constant 0 : i32
      %dma_wait3A_31 = arith.constant 0 : i32
      %dma_wait3A_32 = tpu.memref_slice %arg3[%arg1, %dma_wait3A_30, %dma_wait3A_31] : memref<16x125x80xi32, #tpu.memory_space<hbm>> -> memref<1x125x80xi32, #tpu.memory_space<hbm>>
      %dma_wait3A_33 = tpu.memref_squeeze %dma_wait3A_32 : memref<1x125x80xi32, #tpu.memory_space<hbm>> -> memref<125x80xi32, #tpu.memory_space<hbm>>
      tpu.wait_dma2 semaphore(%run_scoped3A : memref<!tpu.dma_semaphore, #tpu.memory_space<semaphore_mem>>) src(%dma_wait3A_33 : memref<125x80xi32, #tpu.memory_space<hbm>>) dst(%arg7 : memref<125x80xi32, #tpu.memory_space<vmem>>)
      tpu.yield
    }) : () -> ()
    "tpu.region"() ({
      %run_scoped3A = tpu.sem_alloc : memref<!tpu.dma_semaphore, #tpu.memory_space<semaphore_mem>>
      %dma_start3A = arith.constant 0 : i32
      %dma_start3A_20 = arith.constant 0 : i32
      %dma_start3A_21 = tpu.memref_slice %arg4[%arg1, %dma_start3A, %dma_start3A_20] : memref<16x125x80xi32, #tpu.memory_space<hbm>> -> memref<1x125x80xi32, #tpu.memory_space<hbm>>
      %dma_start3A_22 = tpu.memref_squeeze %dma_start3A_21 : memref<1x125x80xi32, #tpu.memory_space<hbm>> -> memref<125x80xi32, #tpu.memory_space<hbm>>
      %dma_start3A_23 = arith.constant 0 : i32
      %dma_start3A_24 = arith.constant 0 : i32
      %dma_start3A_25 = tpu.memref_slice %arg4[%arg1, %dma_start3A_23, %dma_start3A_24] : memref<16x125x80xi32, #tpu.memory_space<hbm>> -> memref<1x125x80xi32, #tpu.memory_space<hbm>>
      %dma_start3A_26 = tpu.memref_squeeze %dma_start3A_25 : memref<1x125x80xi32, #tpu.memory_space<hbm>> -> memref<125x80xi32, #tpu.memory_space<hbm>>
      tpu.enqueue_dma source(%dma_start3A_26 : memref<125x80xi32, #tpu.memory_space<hbm>>) target(%arg8 : memref<125x80xi32, #tpu.memory_space<vmem>>) target_semaphore(%run_scoped3A : memref<!tpu.dma_semaphore, #tpu.memory_space<semaphore_mem>>)
      %dma_wait3A = arith.constant 0 : i32
      %dma_wait3A_27 = arith.constant 0 : i32
      %dma_wait3A_28 = tpu.memref_slice %arg4[%arg1, %dma_wait3A, %dma_wait3A_27] : memref<16x125x80xi32, #tpu.memory_space<hbm>> -> memref<1x125x80xi32, #tpu.memory_space<hbm>>
      %dma_wait3A_29 = tpu.memref_squeeze %dma_wait3A_28 : memref<1x125x80xi32, #tpu.memory_space<hbm>> -> memref<125x80xi32, #tpu.memory_space<hbm>>
      %dma_wait3A_30 = arith.constant 0 : i32
      %dma_wait3A_31 = arith.constant 0 : i32
      %dma_wait3A_32 = tpu.memref_slice %arg4[%arg1, %dma_wait3A_30, %dma_wait3A_31] : memref<16x125x80xi32, #tpu.memory_space<hbm>> -> memref<1x125x80xi32, #tpu.memory_space<hbm>>
      %dma_wait3A_33 = tpu.memref_squeeze %dma_wait3A_32 : memref<1x125x80xi32, #tpu.memory_space<hbm>> -> memref<125x80xi32, #tpu.memory_space<hbm>>
      tpu.wait_dma2 semaphore(%run_scoped3A : memref<!tpu.dma_semaphore, #tpu.memory_space<semaphore_mem>>) src(%dma_wait3A_33 : memref<125x80xi32, #tpu.memory_space<hbm>>) dst(%arg8 : memref<125x80xi32, #tpu.memory_space<vmem>>)
      tpu.yield
    }) : () -> ()
    %lt3A = arith.constant 10 : i32
    %lt3A_0 = arith.cmpi slt, %arg1, %lt3A : i32
    %convert_element_type3A = arith.extui %lt3A_0 : i1 to i32
    %cond3A = arith.constant 0 : i32
    %cond3A_1 = arith.cmpi ne, %convert_element_type3A, %cond3A : i32
    scf.if %cond3A_1 {
      %mul3A_20 = arith.constant 1000 : i32
      %mul3A_21 = arith.muli %arg1, %mul3A_20 : i32
      "tpu.region"() ({
        %run_scoped3A = tpu.sem_alloc : memref<!tpu.dma_semaphore, #tpu.memory_space<semaphore_mem>>
        %dma_start3A = arith.constant 0 : i32
        %dma_start3A_22 = tpu.memref_slice %arg10[%mul3A_21, %dma_start3A] : memref<10000x128xf32, #tpu.memory_space<vmem_shared>> -> memref<1000x128xf32, #tpu.memory_space<vmem_shared>>
        tpu.enqueue_dma source(%arg5 : memref<1000x128xf32, #tpu.memory_space<hbm>>) target(%dma_start3A_22 : memref<1000x128xf32, #tpu.memory_space<vmem_shared>>) target_semaphore(%run_scoped3A : memref<!tpu.dma_semaphore, #tpu.memory_space<semaphore_mem>>)
        %dma_wait3A = arith.constant 0 : i32
        %dma_wait3A_23 = tpu.memref_slice %arg10[%mul3A_21, %dma_wait3A] : memref<10000x128xf32, #tpu.memory_space<vmem_shared>> -> memref<1000x128xf32, #tpu.memory_space<vmem_shared>>
        tpu.wait_dma2 semaphore(%run_scoped3A : memref<!tpu.dma_semaphore, #tpu.memory_space<semaphore_mem>>) src(%arg5 : memref<1000x128xf32, #tpu.memory_space<hbm>>) dst(%dma_wait3A_23 : memref<1000x128xf32, #tpu.memory_space<vmem_shared>>)
        tpu.yield
      }) : () -> ()
    } else {
    }
    %mul3A = arith.constant 10000 : i32
    %mul3A_2 = arith.muli %arg0, %mul3A : i32
    %scan3A = arith.constant 0 : i32
    %scan3A_3 = arith.constant 0 : i32
    %scan3A_4 = arith.constant 125 : i32
    %scan3A_5 = arith.addi %scan3A_3, %scan3A_4 : i32
    %scan3A_6 = arith.constant 1 : i32
    scf.for %scan3A_20 = %scan3A_3 to %scan3A_5 step %scan3A_6  : i32 {
      %get3A = arith.index_cast %scan3A_20 : i32 to index
      %get3A_21 = arith.constant 0 : index
      %get3A_22 = tpu.vector_load %arg7[%get3A, %get3A_21] {strides = array<i32>} : memref<125x80xi32, #tpu.memory_space<vmem>>, vector<1x16xi32>,
      %get3A_23 = vector.shape_cast %get3A_22 : vector<1x16xi32> to vector<16xi32>
      %add3A = vector.broadcast %mul3A_2 : i32 to vector<16xi32>
      %add3A_24 = arith.addi %get3A_23, %add3A : vector<16xi32>
      %swap3A = arith.index_cast %scan3A_20 : i32 to index
      %swap3A_25 = arith.constant 0 : index
      %swap3A_26 = tpu.vector_load %arg7[%swap3A, %swap3A_25] {strides = array<i32>} : memref<125x80xi32, #tpu.memory_space<vmem>>, vector<1x16xi32>,
      %swap3A_27 = vector.shape_cast %swap3A_26 : vector<1x16xi32> to vector<16xi32>
      %swap3A_28 = vector.shape_cast %add3A_24 : vector<16xi32> to vector<1x16xi32>
      tpu.vector_store %arg7[%swap3A, %swap3A_25], %swap3A_28 {strides = array<i32>} : memref<125x80xi32, #tpu.memory_space<vmem>>, vector<1x16xi32>,
      %get3A_29 = arith.index_cast %scan3A_20 : i32 to index
      %get3A_30 = arith.constant 16 : index
      %get3A_31 = tpu.vector_load %arg7[%get3A_29, %get3A_30] {strides = array<i32>} : memref<125x80xi32, #tpu.memory_space<vmem>>, vector<1x16xi32>,
      %get3A_32 = vector.shape_cast %get3A_31 : vector<1x16xi32> to vector<16xi32>
      %add3A_33 = vector.broadcast %mul3A_2 : i32 to vector<16xi32>
      %add3A_34 = arith.addi %get3A_32, %add3A_33 : vector<16xi32>
      %swap3A_35 = arith.index_cast %scan3A_20 : i32 to index
      %swap3A_36 = arith.constant 16 : index
      %swap3A_37 = tpu.vector_load %arg7[%swap3A_35, %swap3A_36] {strides = array<i32>} : memref<125x80xi32, #tpu.memory_space<vmem>>, vector<1x16xi32>,
      %swap3A_38 = vector.shape_cast %swap3A_37 : vector<1x16xi32> to vector<16xi32>
      %swap3A_39 = vector.shape_cast %add3A_34 : vector<16xi32> to vector<1x16xi32>
      tpu.vector_store %arg7[%swap3A_35, %swap3A_36], %swap3A_39 {strides = array<i32>} : memref<125x80xi32, #tpu.memory_space<vmem>>, vector<1x16xi32>,
      %get3A_40 = arith.index_cast %scan3A_20 : i32 to index
      %get3A_41 = arith.constant 32 : index
      %get3A_42 = tpu.vector_load %arg7[%get3A_40, %get3A_41] {strides = array<i32>} : memref<125x80xi32, #tpu.memory_space<vmem>>, vector<1x16xi32>,
      %get3A_43 = vector.shape_cast %get3A_42 : vector<1x16xi32> to vector<16xi32>
      %add3A_44 = vector.broadcast %mul3A_2 : i32 to vector<16xi32>
      %add3A_45 = arith.addi %get3A_43, %add3A_44 : vector<16xi32>
      %swap3A_46 = arith.index_cast %scan3A_20 : i32 to index
      %swap3A_47 = arith.constant 32 : index
      %swap3A_48 = tpu.vector_load %arg7[%swap3A_46, %swap3A_47] {strides = array<i32>} : memref<125x80xi32, #tpu.memory_space<vmem>>, vector<1x16xi32>,
      %swap3A_49 = vector.shape_cast %swap3A_48 : vector<1x16xi32> to vector<16xi32>
      %swap3A_50 = vector.shape_cast %add3A_45 : vector<16xi32> to vector<1x16xi32>
      tpu.vector_store %arg7[%swap3A_46, %swap3A_47], %swap3A_50 {strides = array<i32>} : memref<125x80xi32, #tpu.memory_space<vmem>>, vector<1x16xi32>,
      %get3A_51 = arith.index_cast %scan3A_20 : i32 to index
      %get3A_52 = arith.constant 48 : index
      %get3A_53 = tpu.vector_load %arg7[%get3A_51, %get3A_52] {strides = array<i32>} : memref<125x80xi32, #tpu.memory_space<vmem>>, vector<1x16xi32>,
      %get3A_54 = vector.shape_cast %get3A_53 : vector<1x16xi32> to vector<16xi32>
      %add3A_55 = vector.broadcast %mul3A_2 : i32 to vector<16xi32>
      %add3A_56 = arith.addi %get3A_54, %add3A_55 : vector<16xi32>
      %swap3A_57 = arith.index_cast %scan3A_20 : i32 to index
      %swap3A_58 = arith.constant 48 : index
      %swap3A_59 = tpu.vector_load %arg7[%swap3A_57, %swap3A_58] {strides = array<i32>} : memref<125x80xi32, #tpu.memory_space<vmem>>, vector<1x16xi32>,
      %swap3A_60 = vector.shape_cast %swap3A_59 : vector<1x16xi32> to vector<16xi32>
      %swap3A_61 = vector.shape_cast %add3A_56 : vector<16xi32> to vector<1x16xi32>
      tpu.vector_store %arg7[%swap3A_57, %swap3A_58], %swap3A_61 {strides = array<i32>} : memref<125x80xi32, #tpu.memory_space<vmem>>, vector<1x16xi32>,
      %get3A_62 = arith.index_cast %scan3A_20 : i32 to index
      %get3A_63 = arith.constant 64 : index
      %get3A_64 = tpu.vector_load %arg7[%get3A_62, %get3A_63] {strides = array<i32>} : memref<125x80xi32, #tpu.memory_space<vmem>>, vector<1x16xi32>,
      %get3A_65 = vector.shape_cast %get3A_64 : vector<1x16xi32> to vector<16xi32>
      %add3A_66 = vector.broadcast %mul3A_2 : i32 to vector<16xi32>
      %add3A_67 = arith.addi %get3A_65, %add3A_66 : vector<16xi32>
      %swap3A_68 = arith.index_cast %scan3A_20 : i32 to index
      %swap3A_69 = arith.constant 64 : index
      %swap3A_70 = tpu.vector_load %arg7[%swap3A_68, %swap3A_69] {strides = array<i32>} : memref<125x80xi32, #tpu.memory_space<vmem>>, vector<1x16xi32>,
      %swap3A_71 = vector.shape_cast %swap3A_70 : vector<1x16xi32> to vector<16xi32>
      %swap3A_72 = vector.shape_cast %add3A_67 : vector<16xi32> to vector<1x16xi32>
      tpu.vector_store %arg7[%swap3A_68, %swap3A_69], %swap3A_72 {strides = array<i32>} : memref<125x80xi32, #tpu.memory_space<vmem>>, vector<1x16xi32>,
    }
    %scan3A_7 = arith.constant 125 : i32
    %barrier3A = arith.constant 0 : index
    tpu.barrier barrier_id(%barrier3A)
    %scan3A_8 = arith.constant 0 : i32
    %scan3A_9 = arith.constant 0 : i32
    %scan3A_10 = arith.constant 125 : i32
    %scan3A_11 = arith.addi %scan3A_9, %scan3A_10 : i32
    %scan3A_12 = arith.constant 1 : i32
    scf.for %scan3A_20 = %scan3A_9 to %scan3A_11 step %scan3A_12  : i32 {
      "tpu.region"() ({
        %run_scoped3A = tpu.sem_alloc : memref<!tpu.dma_semaphore, #tpu.memory_space<semaphore_mem>>
        %dma_start3A = arith.constant 0 : i32
        %dma_start3A_21 = tpu.memref_slice %arg7[%scan3A_20, %dma_start3A] : memref<125x80xi32, #tpu.memory_space<vmem>> -> memref<1x80xi32, #tpu.memory_space<vmem>>
        %dma_start3A_22 = tpu.memref_squeeze %dma_start3A_21 : memref<1x80xi32, #tpu.memory_space<vmem>> -> memref<80xi32, #tpu.memory_space<vmem>>
        %dma_start3A_23 = arith.constant 0 : i32
        %dma_start3A_24 = arith.constant 0 : i32
        %dma_start3A_25 = tpu.memref_slice %arg2[%dma_start3A_23, %dma_start3A_24] : memref<20000x128xf32, #tpu.memory_space<hbm>> -> memref<20000x128xf32, #tpu.memory_space<hbm>>
        tpu.enqueue_indirect_dma source(%dma_start3A_25 : memref<20000x128xf32, #tpu.memory_space<hbm>>) target(%arg9 : memref<80x128xf32, #tpu.memory_space<vmem>>) offsets(%dma_start3A_22 : memref<80xi32, #tpu.memory_space<vmem>>) semaphore(%run_scoped3A : memref<!tpu.dma_semaphore, #tpu.memory_space<semaphore_mem>>)
        %dma_wait3A = arith.constant 0 : i32
        %dma_wait3A_26 = tpu.memref_slice %arg7[%scan3A_20, %dma_wait3A] : memref<125x80xi32, #tpu.memory_space<vmem>> -> memref<1x80xi32, #tpu.memory_space<vmem>>
        %dma_wait3A_27 = tpu.memref_squeeze %dma_wait3A_26 : memref<1x80xi32, #tpu.memory_space<vmem>> -> memref<80xi32, #tpu.memory_space<vmem>>
        %dma_wait3A_28 = arith.constant 0 : i32
        %dma_wait3A_29 = arith.constant 0 : i32
        %dma_wait3A_30 = tpu.memref_slice %arg2[%dma_wait3A_28, %dma_wait3A_29] : memref<20000x128xf32, #tpu.memory_space<hbm>> -> memref<20000x128xf32, #tpu.memory_space<hbm>>
        tpu.wait_indirect_dma semaphore(%run_scoped3A : memref<!tpu.dma_semaphore, #tpu.memory_space<semaphore_mem>>) src(%dma_wait3A_30 : memref<20000x128xf32, #tpu.memory_space<hbm>>) dst(%arg9 : memref<80x128xf32, #tpu.memory_space<vmem>>)
        tpu.yield
      }) : () -> ()
      "tpu.region"() ({
        %run_scoped3A = tpu.sem_alloc : memref<!tpu.dma_semaphore, #tpu.memory_space<semaphore_mem>>
        %dma_start3A = arith.constant 0 : i32
        %dma_start3A_21 = tpu.memref_slice %arg8[%scan3A_20, %dma_start3A] : memref<125x80xi32, #tpu.memory_space<vmem>> -> memref<1x80xi32, #tpu.memory_space<vmem>>
        %dma_start3A_22 = tpu.memref_squeeze %dma_start3A_21 : memref<1x80xi32, #tpu.memory_space<vmem>> -> memref<80xi32, #tpu.memory_space<vmem>>
        %dma_start3A_23 = arith.constant 0 : i32
        %dma_start3A_24 = arith.constant 0 : i32
        %dma_start3A_25 = tpu.memref_slice %arg10[%dma_start3A_23, %dma_start3A_24] : memref<10000x128xf32, #tpu.memory_space<vmem_shared>> -> memref<10000x128xf32, #tpu.memory_space<vmem_shared>>
        tpu.enqueue_indirect_dma source(%arg9 : memref<80x128xf32, #tpu.memory_space<vmem>>) target(%dma_start3A_25 : memref<10000x128xf32, #tpu.memory_space<vmem_shared>>) offsets(%dma_start3A_22 : memref<80xi32, #tpu.memory_space<vmem>>) semaphore(%run_scoped3A : memref<!tpu.dma_semaphore, #tpu.memory_space<semaphore_mem>>) {add = true}
        %dma_wait3A = arith.constant 0 : i32
        %dma_wait3A_26 = tpu.memref_slice %arg8[%scan3A_20, %dma_wait3A] : memref<125x80xi32, #tpu.memory_space<vmem>> -> memref<1x80xi32, #tpu.memory_space<vmem>>
        %dma_wait3A_27 = tpu.memref_squeeze %dma_wait3A_26 : memref<1x80xi32, #tpu.memory_space<vmem>> -> memref<80xi32, #tpu.memory_space<vmem>>
        %dma_wait3A_28 = arith.constant 0 : i32
        %dma_wait3A_29 = arith.constant 0 : i32
        %dma_wait3A_30 = tpu.memref_slice %arg10[%dma_wait3A_28, %dma_wait3A_29] : memref<10000x128xf32, #tpu.memory_space<vmem_shared>> -> memref<10000x128xf32, #tpu.memory_space<vmem_shared>>
        tpu.wait_indirect_dma semaphore(%run_scoped3A : memref<!tpu.dma_semaphore, #tpu.memory_space<semaphore_mem>>) src(%arg9 : memref<80x128xf32, #tpu.memory_space<vmem>>) dst(%dma_wait3A_30 : memref<10000x128xf32, #tpu.memory_space<vmem_shared>>)
        tpu.yield
      }) : () -> ()
    }
    %scan3A_13 = arith.constant 125 : i32
    %barrier3A_14 = arith.constant 0 : index
    tpu.barrier barrier_id(%barrier3A_14)
    %lt3A_15 = arith.constant 10 : i32
    %lt3A_16 = arith.cmpi slt, %arg1, %lt3A_15 : i32
    %convert_element_type3A_17 = arith.extui %lt3A_16 : i1 to i32
    %cond3A_18 = arith.constant 0 : i32
    %cond3A_19 = arith.cmpi ne, %convert_element_type3A_17, %cond3A_18 : i32
    scf.if %cond3A_19 {
      %mul3A_20 = arith.constant 10000 : i32
      %mul3A_21 = arith.muli %arg0, %mul3A_20 : i32
      %mul3A_22 = arith.constant 1000 : i32
      %mul3A_23 = arith.muli %arg1, %mul3A_22 : i32
      %add3A = arith.addi %mul3A_21, %mul3A_23 : i32
      %multiple_of3A = tpu.assume_multiple %add3A, 1000 : i32
      %mul3A_24 = arith.constant 1000 : i32
      %mul3A_25 = arith.muli %arg1, %mul3A_24 : i32
      "tpu.region"() ({
        %run_scoped3A = tpu.sem_alloc : memref<!tpu.dma_semaphore, #tpu.memory_space<semaphore_mem>>
        %dma_start3A = arith.constant 0 : i32
        %dma_start3A_26 = tpu.memref_slice %arg6[%multiple_of3A, %dma_start3A] : memref<20000x128xf32, #tpu.memory_space<hbm>> -> memref<1000x128xf32, #tpu.memory_space<hbm>>
        %dma_start3A_27 = arith.constant 0 : i32
        %dma_start3A_28 = tpu.memref_slice %arg10[%mul3A_25, %dma_start3A_27] : memref<10000x128xf32, #tpu.memory_space<vmem_shared>> -> memref<1000x128xf32, #tpu.memory_space<vmem_shared>>
        tpu.enqueue_dma source(%dma_start3A_28 : memref<1000x128xf32, #tpu.memory_space<vmem_shared>>) target(%dma_start3A_26 : memref<1000x128xf32, #tpu.memory_space<hbm>>) target_semaphore(%run_scoped3A : memref<!tpu.dma_semaphore, #tpu.memory_space<semaphore_mem>>)
        %dma_wait3A = arith.constant 0 : i32
        %dma_wait3A_29 = tpu.memref_slice %arg6[%multiple_of3A, %dma_wait3A] : memref<20000x128xf32, #tpu.memory_space<hbm>> -> memref<1000x128xf32, #tpu.memory_space<hbm>>
        %dma_wait3A_30 = arith.constant 0 : i32
        %dma_wait3A_31 = tpu.memref_slice %arg10[%mul3A_25, %dma_wait3A_30] : memref<10000x128xf32, #tpu.memory_space<vmem_shared>> -> memref<1000x128xf32, #tpu.memory_space<vmem_shared>>
        tpu.wait_dma2 semaphore(%run_scoped3A : memref<!tpu.dma_semaphore, #tpu.memory_space<semaphore_mem>>) src(%dma_wait3A_31 : memref<1000x128xf32, #tpu.memory_space<vmem_shared>>) dst(%dma_wait3A_29 : memref<1000x128xf32, #tpu.memory_space<hbm>>)
        tpu.yield
      }) : () -> ()
    } else {
    }
    return
  }
}

#map = affine_map<(d0, d1) -> (0, 0)>
#map1 = affine_map<(d0, d1) -> (0, 0, 0)>
module attributes {stable_mosaic.version = 14 : i64} {
  func.func @body(%arg0: i32, %arg1: i32, %arg2: memref<20000x128xf32, #tpu.memory_space<hbm>>, %arg3: memref<16x125x80xi32, #tpu.memory_space<hbm>>, %arg4: memref<16x125x80xi32, #tpu.memory_space<hbm>>, %arg5: memref<1000x128xf32, #tpu.memory_space<hbm>>, %arg6: memref<20000x128xf32, #tpu.memory_space<hbm>>, %arg7: memref<125x80xi32, #tpu.memory_space<vmem>>, %arg8: memref<125x80xi32, #tpu.memory_space<vmem>>, %arg9: memref<80x128xf32, #tpu.memory_space<vmem>>, %arg10: memref<10000x128xf32, #tpu.memory_space<vmem_shared>>) attributes {dimension_semantics = [#tpu.dimension_semantics<core_parallel>, #tpu.dimension_semantics<subcore_parallel>], iteration_bounds = array<i64: 2, 16>, scalar_prefetch = 0 : i64, scratch_operands = 4 : i64, tpu.core_type = #tpu.core_type<sc_vector_subcore>, window_params = [{transform_indices = #map}, {transform_indices = #map1}, {transform_indices = #map1}, {transform_indices = #map}, {transform_indices = #map}]} {
    "tpu.region"() ({
      %run_scoped3A = tpu.sem_alloc : memref<!tpu.dma_semaphore, #tpu.memory_space<semaphore_mem>>
      %dma_start3A = arith.constant 0 : i32
      %dma_start3A_20 = arith.constant 0 : i32
      %dma_start3A_21 = tpu.memref_slice %arg3[%arg1, %dma_start3A, %dma_start3A_20] : memref<16x125x80xi32, #tpu.memory_space<hbm>> -> memref<1x125x80xi32, #tpu.memory_space<hbm>>
      %dma_start3A_22 = tpu.memref_squeeze %dma_start3A_21 : memref<1x125x80xi32, #tpu.memory_space<hbm>> -> memref<125x80xi32, #tpu.memory_space<hbm>>
      %dma_start3A_23 = arith.constant 0 : i32
      %dma_start3A_24 = arith.constant 0 : i32
      %dma_start3A_25 = tpu.memref_slice %arg3[%arg1, %dma_start3A_23, %dma_start3A_24] : memref<16x125x80xi32, #tpu.memory_space<hbm>> -> memref<1x125x80xi32, #tpu.memory_space<hbm>>
      %dma_start3A_26 = tpu.memref_squeeze %dma_start3A_25 : memref<1x125x80xi32, #tpu.memory_space<hbm>> -> memref<125x80xi32, #tpu.memory_space<hbm>>
      tpu.enqueue_dma source(%dma_start3A_26 : memref<125x80xi32, #tpu.memory_space<hbm>>) target(%arg7 : memref<125x80xi32, #tpu.memory_space<vmem>>) target_semaphore(%run_scoped3A : memref<!tpu.dma_semaphore, #tpu.memory_space<semaphore_mem>>)
      %dma_wait3A = arith.constant 0 : i32
      %dma_wait3A_27 = arith.constant 0 : i32
      %dma_wait3A_28 = tpu.memref_slice %arg3[%arg1, %dma_wait3A, %dma_wait3A_27] : memref<16x125x80xi32, #tpu.memory_space<hbm>> -> memref<1x125x80xi32, #tpu.memory_space<hbm>>
      %dma_wait3A_29 = tpu.memref_squeeze %dma_wait3A_28 : memref<1x125x80xi32, #tpu.memory_space<hbm>> -> memref<125x80xi32, #tpu.memory_space<hbm>>
      %dma_wait3A_30 = arith.constant 0 : i32
      %dma_wait3A_31 = arith.constant 0 : i32
      %dma_wait3A_32 = tpu.memref_slice %arg3[%arg1, %dma_wait3A_30, %dma_wait3A_31] : memref<16x125x80xi32, #tpu.memory_space<hbm>> -> memref<1x125x80xi32, #tpu.memory_space<hbm>>
      %dma_wait3A_33 = tpu.memref_squeeze %dma_wait3A_32 : memref<1x125x80xi32, #tpu.memory_space<hbm>> -> memref<125x80xi32, #tpu.memory_space<hbm>>
      tpu.wait_dma2 semaphore(%run_scoped3A : memref<!tpu.dma_semaphore, #tpu.memory_space<semaphore_mem>>) src(%dma_wait3A_33 : memref<125x80xi32, #tpu.memory_space<hbm>>) dst(%arg7 : memref<125x80xi32, #tpu.memory_space<vmem>>)
      tpu.yield
    }) : () -> ()
    "tpu.region"() ({
      %run_scoped3A = tpu.sem_alloc : memref<!tpu.dma_semaphore, #tpu.memory_space<semaphore_mem>>
      %dma_start3A = arith.constant 0 : i32
      %dma_start3A_20 = arith.constant 0 : i32
      %dma_start3A_21 = tpu.memref_slice %arg4[%arg1, %dma_start3A, %dma_start3A_20] : memref<16x125x80xi32, #tpu.memory_space<hbm>> -> memref<1x125x80xi32, #tpu.memory_space<hbm>>
      %dma_start3A_22 = tpu.memref_squeeze %dma_start3A_21 : memref<1x125x80xi32, #tpu.memory_space<hbm>> -> memref<125x80xi32, #tpu.memory_space<hbm>>
      %dma_start3A_23 = arith.constant 0 : i32
      %dma_start3A_24 = arith.constant 0 : i32
      %dma_start3A_25 = tpu.memref_slice %arg4[%arg1, %dma_start3A_23, %dma_start3A_24] : memref<16x125x80xi32, #tpu.memory_space<hbm>> -> memref<1x125x80xi32, #tpu.memory_space<hbm>>
      %dma_start3A_26 = tpu.memref_squeeze %dma_start3A_25 : memref<1x125x80xi32, #tpu.memory_space<hbm>> -> memref<125x80xi32, #tpu.memory_space<hbm>>
      tpu.enqueue_dma source(%dma_start3A_26 : memref<125x80xi32, #tpu.memory_space<hbm>>) target(%arg8 : memref<125x80xi32, #tpu.memory_space<vmem>>) target_semaphore(%run_scoped3A : memref<!tpu.dma_semaphore, #tpu.memory_space<semaphore_mem>>)
      %dma_wait3A = arith.constant 0 : i32
      %dma_wait3A_27 = arith.constant 0 : i32
      %dma_wait3A_28 = tpu.memref_slice %arg4[%arg1, %dma_wait3A, %dma_wait3A_27] : memref<16x125x80xi32, #tpu.memory_space<hbm>> -> memref<1x125x80xi32, #tpu.memory_space<hbm>>
      %dma_wait3A_29 = tpu.memref_squeeze %dma_wait3A_28 : memref<1x125x80xi32, #tpu.memory_space<hbm>> -> memref<125x80xi32, #tpu.memory_space<hbm>>
      %dma_wait3A_30 = arith.constant 0 : i32
      %dma_wait3A_31 = arith.constant 0 : i32
      %dma_wait3A_32 = tpu.memref_slice %arg4[%arg1, %dma_wait3A_30, %dma_wait3A_31] : memref<16x125x80xi32, #tpu.memory_space<hbm>> -> memref<1x125x80xi32, #tpu.memory_space<hbm>>
      %dma_wait3A_33 = tpu.memref_squeeze %dma_wait3A_32 : memref<1x125x80xi32, #tpu.memory_space<hbm>> -> memref<125x80xi32, #tpu.memory_space<hbm>>
      tpu.wait_dma2 semaphore(%run_scoped3A : memref<!tpu.dma_semaphore, #tpu.memory_space<semaphore_mem>>) src(%dma_wait3A_33 : memref<125x80xi32, #tpu.memory_space<hbm>>) dst(%arg8 : memref<125x80xi32, #tpu.memory_space<vmem>>)
      tpu.yield
    }) : () -> ()
    %lt3A = arith.constant 10 : i32
    %lt3A_0 = arith.cmpi slt, %arg1, %lt3A : i32
    %convert_element_type3A = arith.extui %lt3A_0 : i1 to i32
    %cond3A = arith.constant 0 : i32
    %cond3A_1 = arith.cmpi ne, %convert_element_type3A, %cond3A : i32
    scf.if %cond3A_1 {
      %mul3A_20 = arith.constant 1000 : i32
      %mul3A_21 = arith.muli %arg1, %mul3A_20 : i32
      "tpu.region"() ({
        %run_scoped3A = tpu.sem_alloc : memref<!tpu.dma_semaphore, #tpu.memory_space<semaphore_mem>>
        %dma_start3A = arith.constant 0 : i32
        %dma_start3A_22 = tpu.memref_slice %arg10[%mul3A_21, %dma_start3A] : memref<10000x128xf32, #tpu.memory_space<vmem_shared>> -> memref<1000x128xf32, #tpu.memory_space<vmem_shared>>
        tpu.enqueue_dma source(%arg5 : memref<1000x128xf32, #tpu.memory_space<hbm>>) target(%dma_start3A_22 : memref<1000x128xf32, #tpu.memory_space<vmem_shared>>) target_semaphore(%run_scoped3A : memref<!tpu.dma_semaphore, #tpu.memory_space<semaphore_mem>>)
        %dma_wait3A = arith.constant 0 : i32
        %dma_wait3A_23 = tpu.memref_slice %arg10[%mul3A_21, %dma_wait3A] : memref<10000x128xf32, #tpu.memory_space<vmem_shared>> -> memref<1000x128xf32, #tpu.memory_space<vmem_shared>>
        tpu.wait_dma2 semaphore(%run_scoped3A : memref<!tpu.dma_semaphore, #tpu.memory_space<semaphore_mem>>) src(%arg5 : memref<1000x128xf32, #tpu.memory_space<hbm>>) dst(%dma_wait3A_23 : memref<1000x128xf32, #tpu.memory_space<vmem_shared>>)
        tpu.yield
      }) : () -> ()
    } else {
    }
    %mul3A = arith.constant 10000 : i32
    %mul3A_2 = arith.muli %arg0, %mul3A : i32
    %scan3A = arith.constant 0 : i32
    %scan3A_3 = arith.constant 0 : i32
    %scan3A_4 = arith.constant 125 : i32
    %scan3A_5 = arith.addi %scan3A_3, %scan3A_4 : i32
    %scan3A_6 = arith.constant 1 : i32
    scf.for %scan3A_20 = %scan3A_3 to %scan3A_5 step %scan3A_6  : i32 {
      %get3A = arith.index_cast %scan3A_20 : i32 to index
      %get3A_21 = arith.constant 0 : index
      %get3A_22 = tpu.vector_load %arg7[%get3A, %get3A_21] {strides = array<i32>} : memref<125x80xi32, #tpu.memory_space<vmem>>, vector<1x16xi32>,
      %get3A_23 = vector.shape_cast %get3A_22 : vector<1x16xi32> to vector<16xi32>
      %add3A = vector.broadcast %mul3A_2 : i32 to vector<16xi32>
      %add3A_24 = arith.addi %get3A_23, %add3A : vector<16xi32>
      %swap3A = arith.index_cast %scan3A_20 : i32 to index
      %swap3A_25 = arith.constant 0 : index
      %swap3A_26 = tpu.vector_load %arg7[%swap3A, %swap3A_25] {strides = array<i32>} : memref<125x80xi32, #tpu.memory_space<vmem>>, vector<1x16xi32>,
      %swap3A_27 = vector.shape_cast %swap3A_26 : vector<1x16xi32> to vector<16xi32>
      %swap3A_28 = vector.shape_cast %add3A_24 : vector<16xi32> to vector<1x16xi32>
      tpu.vector_store %arg7[%swap3A, %swap3A_25], %swap3A_28 {strides = array<i32>} : memref<125x80xi32, #tpu.memory_space<vmem>>, vector<1x16xi32>,
      %get3A_29 = arith.index_cast %scan3A_20 : i32 to index
      %get3A_30 = arith.constant 16 : index
      %get3A_31 = tpu.vector_load %arg7[%get3A_29, %get3A_30] {strides = array<i32>} : memref<125x80xi32, #tpu.memory_space<vmem>>, vector<1x16xi32>,
      %get3A_32 = vector.shape_cast %get3A_31 : vector<1x16xi32> to vector<16xi32>
      %add3A_33 = vector.broadcast %mul3A_2 : i32 to vector<16xi32>
      %add3A_34 = arith.addi %get3A_32, %add3A_33 : vector<16xi32>
      %swap3A_35 = arith.index_cast %scan3A_20 : i32 to index
      %swap3A_36 = arith.constant 16 : index
      %swap3A_37 = tpu.vector_load %arg7[%swap3A_35, %swap3A_36] {strides = array<i32>} : memref<125x80xi32, #tpu.memory_space<vmem>>, vector<1x16xi32>,
      %swap3A_38 = vector.shape_cast %swap3A_37 : vector<1x16xi32> to vector<16xi32>
      %swap3A_39 = vector.shape_cast %add3A_34 : vector<16xi32> to vector<1x16xi32>
      tpu.vector_store %arg7[%swap3A_35, %swap3A_36], %swap3A_39 {strides = array<i32>} : memref<125x80xi32, #tpu.memory_space<vmem>>, vector<1x16xi32>,
      %get3A_40 = arith.index_cast %scan3A_20 : i32 to index
      %get3A_41 = arith.constant 32 : index
      %get3A_42 = tpu.vector_load %arg7[%get3A_40, %get3A_41] {strides = array<i32>} : memref<125x80xi32, #tpu.memory_space<vmem>>, vector<1x16xi32>,
      %get3A_43 = vector.shape_cast %get3A_42 : vector<1x16xi32> to vector<16xi32>
      %add3A_44 = vector.broadcast %mul3A_2 : i32 to vector<16xi32>
      %add3A_45 = arith.addi %get3A_43, %add3A_44 : vector<16xi32>
      %swap3A_46 = arith.index_cast %scan3A_20 : i32 to index
      %swap3A_47 = arith.constant 32 : index
      %swap3A_48 = tpu.vector_load %arg7[%swap3A_46, %swap3A_47] {strides = array<i32>} : memref<125x80xi32, #tpu.memory_space<vmem>>, vector<1x16xi32>,
      %swap3A_49 = vector.shape_cast %swap3A_48 : vector<1x16xi32> to vector<16xi32>
      %swap3A_50 = vector.shape_cast %add3A_45 : vector<16xi32> to vector<1x16xi32>
      tpu.vector_store %arg7[%swap3A_46, %swap3A_47], %swap3A_50 {strides = array<i32>} : memref<125x80xi32, #tpu.memory_space<vmem>>, vector<1x16xi32>,
      %get3A_51 = arith.index_cast %scan3A_20 : i32 to index
      %get3A_52 = arith.constant 48 : index
      %get3A_53 = tpu.vector_load %arg7[%get3A_51, %get3A_52] {strides = array<i32>} : memref<125x80xi32, #tpu.memory_space<vmem>>, vector<1x16xi32>,
      %get3A_54 = vector.shape_cast %get3A_53 : vector<1x16xi32> to vector<16xi32>
      %add3A_55 = vector.broadcast %mul3A_2 : i32 to vector<16xi32>
      %add3A_56 = arith.addi %get3A_54, %add3A_55 : vector<16xi32>
      %swap3A_57 = arith.index_cast %scan3A_20 : i32 to index
      %swap3A_58 = arith.constant 48 : index
      %swap3A_59 = tpu.vector_load %arg7[%swap3A_57, %swap3A_58] {strides = array<i32>} : memref<125x80xi32, #tpu.memory_space<vmem>>, vector<1x16xi32>,
      %swap3A_60 = vector.shape_cast %swap3A_59 : vector<1x16xi32> to vector<16xi32>
      %swap3A_61 = vector.shape_cast %add3A_56 : vector<16xi32> to vector<1x16xi32>
      tpu.vector_store %arg7[%swap3A_57, %swap3A_58], %swap3A_61 {strides = array<i32>} : memref<125x80xi32, #tpu.memory_space<vmem>>, vector<1x16xi32>,
      %get3A_62 = arith.index_cast %scan3A_20 : i32 to index
      %get3A_63 = arith.constant 64 : index
      %get3A_64 = tpu.vector_load %arg7[%get3A_62, %get3A_63] {strides = array<i32>} : memref<125x80xi32, #tpu.memory_space<vmem>>, vector<1x16xi32>,
      %get3A_65 = vector.shape_cast %get3A_64 : vector<1x16xi32> to vector<16xi32>
      %add3A_66 = vector.broadcast %mul3A_2 : i32 to vector<16xi32>
      %add3A_67 = arith.addi %get3A_65, %add3A_66 : vector<16xi32>
      %swap3A_68 = arith.index_cast %scan3A_20 : i32 to index
      %swap3A_69 = arith.constant 64 : index
      %swap3A_70 = tpu.vector_load %arg7[%swap3A_68, %swap3A_69] {strides = array<i32>} : memref<125x80xi32, #tpu.memory_space<vmem>>, vector<1x16xi32>,
      %swap3A_71 = vector.shape_cast %swap3A_70 : vector<1x16xi32> to vector<16xi32>
      %swap3A_72 = vector.shape_cast %add3A_67 : vector<16xi32> to vector<1x16xi32>
      tpu.vector_store %arg7[%swap3A_68, %swap3A_69], %swap3A_72 {strides = array<i32>} : memref<125x80xi32, #tpu.memory_space<vmem>>, vector<1x16xi32>,
    }
    %scan3A_7 = arith.constant 125 : i32
    %barrier3A = arith.constant 0 : index
    tpu.barrier barrier_id(%barrier3A)
    %scan3A_8 = arith.constant 0 : i32
    %scan3A_9 = arith.constant 0 : i32
    %scan3A_10 = arith.constant 125 : i32
    %scan3A_11 = arith.addi %scan3A_9, %scan3A_10 : i32
    %scan3A_12 = arith.constant 1 : i32
    scf.for %scan3A_20 = %scan3A_9 to %scan3A_11 step %scan3A_12  : i32 {
      "tpu.region"() ({
        %run_scoped3A = tpu.sem_alloc : memref<!tpu.dma_semaphore, #tpu.memory_space<semaphore_mem>>
        %dma_start3A = arith.constant 0 : i32
        %dma_start3A_21 = tpu.memref_slice %arg7[%scan3A_20, %dma_start3A] : memref<125x80xi32, #tpu.memory_space<vmem>> -> memref<1x80xi32, #tpu.memory_space<vmem>>
        %dma_start3A_22 = tpu.memref_squeeze %dma_start3A_21 : memref<1x80xi32, #tpu.memory_space<vmem>> -> memref<80xi32, #tpu.memory_space<vmem>>
        %dma_start3A_23 = arith.constant 0 : i32
        %dma_start3A_24 = arith.constant 0 : i32
        %dma_start3A_25 = tpu.memref_slice %arg2[%dma_start3A_23, %dma_start3A_24] : memref<20000x128xf32, #tpu.memory_space<hbm>> -> memref<20000x128xf32, #tpu.memory_space<hbm>>
        tpu.enqueue_indirect_dma source(%dma_start3A_25 : memref<20000x128xf32, #tpu.memory_space<hbm>>) target(%arg9 : memref<80x128xf32, #tpu.memory_space<vmem>>) offsets(%dma_start3A_22 : memref<80xi32, #tpu.memory_space<vmem>>) semaphore(%run_scoped3A : memref<!tpu.dma_semaphore, #tpu.memory_space<semaphore_mem>>)
        %dma_wait3A = arith.constant 0 : i32
        %dma_wait3A_26 = tpu.memref_slice %arg7[%scan3A_20, %dma_wait3A] : memref<125x80xi32, #tpu.memory_space<vmem>> -> memref<1x80xi32, #tpu.memory_space<vmem>>
        %dma_wait3A_27 = tpu.memref_squeeze %dma_wait3A_26 : memref<1x80xi32, #tpu.memory_space<vmem>> -> memref<80xi32, #tpu.memory_space<vmem>>
        %dma_wait3A_28 = arith.constant 0 : i32
        %dma_wait3A_29 = arith.constant 0 : i32
        %dma_wait3A_30 = tpu.memref_slice %arg2[%dma_wait3A_28, %dma_wait3A_29] : memref<20000x128xf32, #tpu.memory_space<hbm>> -> memref<20000x128xf32, #tpu.memory_space<hbm>>
        tpu.wait_indirect_dma semaphore(%run_scoped3A : memref<!tpu.dma_semaphore, #tpu.memory_space<semaphore_mem>>) src(%dma_wait3A_30 : memref<20000x128xf32, #tpu.memory_space<hbm>>) dst(%arg9 : memref<80x128xf32, #tpu.memory_space<vmem>>)
        tpu.yield
      }) : () -> ()
      "tpu.region"() ({
        %run_scoped3A = tpu.sem_alloc : memref<!tpu.dma_semaphore, #tpu.memory_space<semaphore_mem>>
        %dma_start3A = arith.constant 0 : i32
        %dma_start3A_21 = tpu.memref_slice %arg8[%scan3A_20, %dma_start3A] : memref<125x80xi32, #tpu.memory_space<vmem>> -> memref<1x80xi32, #tpu.memory_space<vmem>>
        %dma_start3A_22 = tpu.memref_squeeze %dma_start3A_21 : memref<1x80xi32, #tpu.memory_space<vmem>> -> memref<80xi32, #tpu.memory_space<vmem>>
        %dma_start3A_23 = arith.constant 0 : i32
        %dma_start3A_24 = arith.constant 0 : i32
        %dma_start3A_25 = tpu.memref_slice %arg10[%dma_start3A_23, %dma_start3A_24] : memref<10000x128xf32, #tpu.memory_space<vmem_shared>> -> memref<10000x128xf32, #tpu.memory_space<vmem_shared>>
        tpu.enqueue_indirect_dma source(%arg9 : memref<80x128xf32, #tpu.memory_space<vmem>>) target(%dma_start3A_25 : memref<10000x128xf32, #tpu.memory_space<vmem_shared>>) offsets(%dma_start3A_22 : memref<80xi32, #tpu.memory_space<vmem>>) semaphore(%run_scoped3A : memref<!tpu.dma_semaphore, #tpu.memory_space<semaphore_mem>>) {add = true}
        %dma_wait3A = arith.constant 0 : i32
        %dma_wait3A_26 = tpu.memref_slice %arg8[%scan3A_20, %dma_wait3A] : memref<125x80xi32, #tpu.memory_space<vmem>> -> memref<1x80xi32, #tpu.memory_space<vmem>>
        %dma_wait3A_27 = tpu.memref_squeeze %dma_wait3A_26 : memref<1x80xi32, #tpu.memory_space<vmem>> -> memref<80xi32, #tpu.memory_space<vmem>>
        %dma_wait3A_28 = arith.constant 0 : i32
        %dma_wait3A_29 = arith.constant 0 : i32
        %dma_wait3A_30 = tpu.memref_slice %arg10[%dma_wait3A_28, %dma_wait3A_29] : memref<10000x128xf32, #tpu.memory_space<vmem_shared>> -> memref<10000x128xf32, #tpu.memory_space<vmem_shared>>
        tpu.wait_indirect_dma semaphore(%run_scoped3A : memref<!tpu.dma_semaphore, #tpu.memory_space<semaphore_mem>>) src(%arg9 : memref<80x128xf32, #tpu.memory_space<vmem>>) dst(%dma_wait3A_30 : memref<10000x128xf32, #tpu.memory_space<vmem_shared>>)
        tpu.yield
      }) : () -> ()
    }
    %scan3A_13 = arith.constant 125 : i32
    %barrier3A_14 = arith.constant 0 : index
    tpu.barrier barrier_id(%barrier3A_14)
    %lt3A_15 = arith.constant 10 : i32
    %lt3A_16 = arith.cmpi slt, %arg1, %lt3A_15 : i32
    %convert_element_type3A_17 = arith.extui %lt3A_16 : i1 to i32
    %cond3A_18 = arith.constant 0 : i32
    %cond3A_19 = arith.cmpi ne, %convert_element_type3A_17, %cond3A_18 : i32
    scf.if %cond3A_19 {
      %mul3A_20 = arith.constant 10000 : i32
      %mul3A_21 = arith.muli %arg0, %mul3A_20 : i32
      %mul3A_22 = arith.constant 1000 : i32
      %mul3A_23 = arith.muli %arg1, %mul3A_22 : i32
      %add3A = arith.addi %mul3A_21, %mul3A_23 : i32
      %multiple_of3A = tpu.assume_multiple %add3A, 1000 : i32
      %mul3A_24 = arith.constant 1000 : i32
      %mul3A_25 = arith.muli %arg1, %mul3A_24 : i32
      "tpu.region"() ({
        %run_scoped3A = tpu.sem_alloc : memref<!tpu.dma_semaphore, #tpu.memory_space<semaphore_mem>>
        %dma_start3A = arith.constant 0 : i32
        %dma_start3A_26 = tpu.memref_slice %arg6[%multiple_of3A, %dma_start3A] : memref<20000x128xf32, #tpu.memory_space<hbm>> -> memref<1000x128xf32, #tpu.memory_space<hbm>>
        %dma_start3A_27 = arith.constant 0 : i32
        %dma_start3A_28 = tpu.memref_slice %arg10[%mul3A_25, %dma_start3A_27] : memref<10000x128xf32, #tpu.memory_space<vmem_shared>> -> memref<1000x128xf32, #tpu.memory_space<vmem_shared>>
        tpu.enqueue_dma source(%dma_start3A_28 : memref<1000x128xf32, #tpu.memory_space<vmem_shared>>) target(%dma_start3A_26 : memref<1000x128xf32, #tpu.memory_space<hbm>>) target_semaphore(%run_scoped3A : memref<!tpu.dma_semaphore, #tpu.memory_space<semaphore_mem>>)
        %dma_wait3A = arith.constant 0 : i32
        %dma_wait3A_29 = tpu.memref_slice %arg6[%multiple_of3A, %dma_wait3A] : memref<20000x128xf32, #tpu.memory_space<hbm>> -> memref<1000x128xf32, #tpu.memory_space<hbm>>
        %dma_wait3A_30 = arith.constant 0 : i32
        %dma_wait3A_31 = tpu.memref_slice %arg10[%mul3A_25, %dma_wait3A_30] : memref<10000x128xf32, #tpu.memory_space<vmem_shared>> -> memref<1000x128xf32, #tpu.memory_space<vmem_shared>>
        tpu.wait_dma2 semaphore(%run_scoped3A : memref<!tpu.dma_semaphore, #tpu.memory_space<semaphore_mem>>) src(%dma_wait3A_31 : memref<1000x128xf32, #tpu.memory_space<vmem_shared>>) dst(%dma_wait3A_29 : memref<1000x128xf32, #tpu.memory_space<hbm>>)
        tpu.yield
      }) : () -> ()
    } else {
    }
    return
  }
}

#map = affine_map<(d0, d1) -> (0, 0, 0)>
#map1 = affine_map<(d0, d1) -> (0, 0)>
module attributes {stable_mosaic.version = 14 : i64} {
  func.func @body(%arg0: i32, %arg1: i32, %arg2: memref<16x125x80xi32, #tpu.memory_space<hbm>>, %arg3: memref<1000x128xf32, #tpu.memory_space<hbm>>, %arg4: memref<80x128xf32, #tpu.memory_space<hbm>>, %arg5: memref<10000x128xf32, #tpu.memory_space<hbm>>, %arg6: memref<125x80xi32, #tpu.memory_space<vmem>>, %arg7: memref<80x128xf32, #tpu.memory_space<vmem>>, %arg8: memref<10000x128xf32, #tpu.memory_space<vmem_shared>>) attributes {dimension_semantics = [#tpu.dimension_semantics<core_parallel>, #tpu.dimension_semantics<subcore_parallel>], iteration_bounds = array<i64: 2, 16>, scalar_prefetch = 0 : i64, scratch_operands = 3 : i64, tpu.core_type = #tpu.core_type<sc_vector_subcore>, window_params = [{transform_indices = #map}, {transform_indices = #map1}, {transform_indices = #map1}, {transform_indices = #map1}]} {
    %eq3A = arith.constant 0 : i32
    %eq3A_0 = arith.cmpi eq, %arg0, %eq3A : i32
    %convert_element_type3A = arith.extui %eq3A_0 : i1 to i32
    %cond3A = arith.constant 0 : i32
    %cond3A_1 = arith.cmpi ne, %convert_element_type3A, %cond3A : i32
    scf.if %cond3A_1 {
      "tpu.region"() ({
        %run_scoped3A = tpu.sem_alloc : memref<!tpu.dma_semaphore, #tpu.memory_space<semaphore_mem>>
        %dma_start3A = arith.constant 0 : i32
        %dma_start3A_19 = arith.constant 0 : i32
        %dma_start3A_20 = tpu.memref_slice %arg2[%arg1, %dma_start3A, %dma_start3A_19] : memref<16x125x80xi32, #tpu.memory_space<hbm>> -> memref<1x125x80xi32, #tpu.memory_space<hbm>>
        %dma_start3A_21 = tpu.memref_squeeze %dma_start3A_20 : memref<1x125x80xi32, #tpu.memory_space<hbm>> -> memref<125x80xi32, #tpu.memory_space<hbm>>
        %dma_start3A_22 = arith.constant 0 : i32
        %dma_start3A_23 = arith.constant 0 : i32
        %dma_start3A_24 = tpu.memref_slice %arg2[%arg1, %dma_start3A_22, %dma_start3A_23] : memref<16x125x80xi32, #tpu.memory_space<hbm>> -> memref<1x125x80xi32, #tpu.memory_space<hbm>>
        %dma_start3A_25 = tpu.memref_squeeze %dma_start3A_24 : memref<1x125x80xi32, #tpu.memory_space<hbm>> -> memref<125x80xi32, #tpu.memory_space<hbm>>
        tpu.enqueue_dma source(%dma_start3A_25 : memref<125x80xi32, #tpu.memory_space<hbm>>) target(%arg6 : memref<125x80xi32, #tpu.memory_space<vmem>>) target_semaphore(%run_scoped3A : memref<!tpu.dma_semaphore, #tpu.memory_space<semaphore_mem>>)
        %dma_wait3A = arith.constant 0 : i32
        %dma_wait3A_26 = arith.constant 0 : i32
        %dma_wait3A_27 = tpu.memref_slice %arg2[%arg1, %dma_wait3A, %dma_wait3A_26] : memref<16x125x80xi32, #tpu.memory_space<hbm>> -> memref<1x125x80xi32, #tpu.memory_space<hbm>>
        %dma_wait3A_28 = tpu.memref_squeeze %dma_wait3A_27 : memref<1x125x80xi32, #tpu.memory_space<hbm>> -> memref<125x80xi32, #tpu.memory_space<hbm>>
        %dma_wait3A_29 = arith.constant 0 : i32
        %dma_wait3A_30 = arith.constant 0 : i32
        %dma_wait3A_31 = tpu.memref_slice %arg2[%arg1, %dma_wait3A_29, %dma_wait3A_30] : memref<16x125x80xi32, #tpu.memory_space<hbm>> -> memref<1x125x80xi32, #tpu.memory_space<hbm>>
        %dma_wait3A_32 = tpu.memref_squeeze %dma_wait3A_31 : memref<1x125x80xi32, #tpu.memory_space<hbm>> -> memref<125x80xi32, #tpu.memory_space<hbm>>
        tpu.wait_dma2 semaphore(%run_scoped3A : memref<!tpu.dma_semaphore, #tpu.memory_space<semaphore_mem>>) src(%dma_wait3A_32 : memref<125x80xi32, #tpu.memory_space<hbm>>) dst(%arg6 : memref<125x80xi32, #tpu.memory_space<vmem>>)
        tpu.yield
      }) : () -> ()
      "tpu.region"() ({
        %run_scoped3A = tpu.sem_alloc : memref<!tpu.dma_semaphore, #tpu.memory_space<semaphore_mem>>
        tpu.enqueue_dma source(%arg4 : memref<80x128xf32, #tpu.memory_space<hbm>>) target(%arg7 : memref<80x128xf32, #tpu.memory_space<vmem>>) target_semaphore(%run_scoped3A : memref<!tpu.dma_semaphore, #tpu.memory_space<semaphore_mem>>)
        tpu.wait_dma2 semaphore(%run_scoped3A : memref<!tpu.dma_semaphore, #tpu.memory_space<semaphore_mem>>) src(%arg4 : memref<80x128xf32, #tpu.memory_space<hbm>>) dst(%arg7 : memref<80x128xf32, #tpu.memory_space<vmem>>)
        tpu.yield
      }) : () -> ()
      %lt3A_14 = arith.constant 10 : i32
      %lt3A_15 = arith.cmpi slt, %arg1, %lt3A_14 : i32
      %convert_element_type3A_16 = arith.extui %lt3A_15 : i1 to i32
      %cond3A_17 = arith.constant 0 : i32
      %cond3A_18 = arith.cmpi ne, %convert_element_type3A_16, %cond3A_17 : i32
      scf.if %cond3A_18 {
        %mul3A = arith.constant 1000 : i32
        %mul3A_19 = arith.muli %arg1, %mul3A : i32
        "tpu.region"() ({
          %run_scoped3A = tpu.sem_alloc : memref<!tpu.dma_semaphore, #tpu.memory_space<semaphore_mem>>
          %dma_start3A = arith.constant 0 : i32
          %dma_start3A_20 = tpu.memref_slice %arg8[%mul3A_19, %dma_start3A] : memref<10000x128xf32, #tpu.memory_space<vmem_shared>> -> memref<1000x128xf32, #tpu.memory_space<vmem_shared>>
          tpu.enqueue_dma source(%arg3 : memref<1000x128xf32, #tpu.memory_space<hbm>>) target(%dma_start3A_20 : memref<1000x128xf32, #tpu.memory_space<vmem_shared>>) target_semaphore(%run_scoped3A : memref<!tpu.dma_semaphore, #tpu.memory_space<semaphore_mem>>)
          %dma_wait3A = arith.constant 0 : i32
          %dma_wait3A_21 = tpu.memref_slice %arg8[%mul3A_19, %dma_wait3A] : memref<10000x128xf32, #tpu.memory_space<vmem_shared>> -> memref<1000x128xf32, #tpu.memory_space<vmem_shared>>
          tpu.wait_dma2 semaphore(%run_scoped3A : memref<!tpu.dma_semaphore, #tpu.memory_space<semaphore_mem>>) src(%arg3 : memref<1000x128xf32, #tpu.memory_space<hbm>>) dst(%dma_wait3A_21 : memref<1000x128xf32, #tpu.memory_space<vmem_shared>>)
          tpu.yield
        }) : () -> ()
      } else {
      }
    } else {
    }
    %barrier3A = arith.constant 0 : index
    tpu.barrier barrier_id(%barrier3A)
    %eq3A_2 = arith.constant 0 : i32
    %eq3A_3 = arith.cmpi eq, %arg0, %eq3A_2 : i32
    %convert_element_type3A_4 = arith.extui %eq3A_3 : i1 to i32
    %cond3A_5 = arith.constant 0 : i32
    %cond3A_6 = arith.cmpi ne, %convert_element_type3A_4, %cond3A_5 : i32
    scf.if %cond3A_6 {
      %scan3A = arith.constant 0 : i32
      %scan3A_14 = arith.constant 0 : i32
      %scan3A_15 = arith.constant 125 : i32
      %scan3A_16 = arith.addi %scan3A_14, %scan3A_15 : i32
      %scan3A_17 = arith.constant 1 : i32
      scf.for %scan3A_19 = %scan3A_14 to %scan3A_16 step %scan3A_17  : i32 {
        "tpu.region"() ({
          %run_scoped3A = tpu.sem_alloc : memref<!tpu.dma_semaphore, #tpu.memory_space<semaphore_mem>>
          %dma_start3A = arith.constant 0 : i32
          %dma_start3A_20 = tpu.memref_slice %arg6[%scan3A_19, %dma_start3A] : memref<125x80xi32, #tpu.memory_space<vmem>> -> memref<1x80xi32, #tpu.memory_space<vmem>>
          %dma_start3A_21 = tpu.memref_squeeze %dma_start3A_20 : memref<1x80xi32, #tpu.memory_space<vmem>> -> memref<80xi32, #tpu.memory_space<vmem>>
          %dma_start3A_22 = arith.constant 0 : i32
          %dma_start3A_23 = arith.constant 0 : i32
          %dma_start3A_24 = tpu.memref_slice %arg8[%dma_start3A_22, %dma_start3A_23] : memref<10000x128xf32, #tpu.memory_space<vmem_shared>> -> memref<10000x128xf32, #tpu.memory_space<vmem_shared>>
          tpu.enqueue_indirect_dma source(%arg7 : memref<80x128xf32, #tpu.memory_space<vmem>>) target(%dma_start3A_24 : memref<10000x128xf32, #tpu.memory_space<vmem_shared>>) offsets(%dma_start3A_21 : memref<80xi32, #tpu.memory_space<vmem>>) semaphore(%run_scoped3A : memref<!tpu.dma_semaphore, #tpu.memory_space<semaphore_mem>>) {add = true}
          %dma_wait3A = arith.constant 0 : i32
          %dma_wait3A_25 = tpu.memref_slice %arg6[%scan3A_19, %dma_wait3A] : memref<125x80xi32, #tpu.memory_space<vmem>> -> memref<1x80xi32, #tpu.memory_space<vmem>>
          %dma_wait3A_26 = tpu.memref_squeeze %dma_wait3A_25 : memref<1x80xi32, #tpu.memory_space<vmem>> -> memref<80xi32, #tpu.memory_space<vmem>>
          %dma_wait3A_27 = arith.constant 0 : i32
          %dma_wait3A_28 = arith.constant 0 : i32
          %dma_wait3A_29 = tpu.memref_slice %arg8[%dma_wait3A_27, %dma_wait3A_28] : memref<10000x128xf32, #tpu.memory_space<vmem_shared>> -> memref<10000x128xf32, #tpu.memory_space<vmem_shared>>
          tpu.wait_indirect_dma semaphore(%run_scoped3A : memref<!tpu.dma_semaphore, #tpu.memory_space<semaphore_mem>>) src(%arg7 : memref<80x128xf32, #tpu.memory_space<vmem>>) dst(%dma_wait3A_29 : memref<10000x128xf32, #tpu.memory_space<vmem_shared>>)
          tpu.yield
        }) : () -> ()
      }
      %scan3A_18 = arith.constant 125 : i32
    } else {
    }
    %barrier3A_7 = arith.constant 0 : index
    tpu.barrier barrier_id(%barrier3A_7)
    %eq3A_8 = arith.constant 0 : i32
    %eq3A_9 = arith.cmpi eq, %arg0, %eq3A_8 : i32
    %lt3A = arith.constant 10 : i32
    %lt3A_10 = arith.cmpi slt, %arg1, %lt3A : i32
    %and3A = arith.andi %eq3A_9, %lt3A_10 : i1
    %convert_element_type3A_11 = arith.extui %and3A : i1 to i32
    %cond3A_12 = arith.constant 0 : i32
    %cond3A_13 = arith.cmpi ne, %convert_element_type3A_11, %cond3A_12 : i32
    scf.if %cond3A_13 {
      %mul3A = arith.constant 1000 : i32
      %mul3A_14 = arith.muli %arg1, %mul3A : i32
      %mul3A_15 = arith.constant 1000 : i32
      %mul3A_16 = arith.muli %arg1, %mul3A_15 : i32
      "tpu.region"() ({
        %run_scoped3A = tpu.sem_alloc : memref<!tpu.dma_semaphore, #tpu.memory_space<semaphore_mem>>
        %dma_start3A = arith.constant 0 : i32
        %dma_start3A_17 = tpu.memref_slice %arg5[%mul3A_16, %dma_start3A] : memref<10000x128xf32, #tpu.memory_space<hbm>> -> memref<1000x128xf32, #tpu.memory_space<hbm>>
        %dma_start3A_18 = arith.constant 0 : i32
        %dma_start3A_19 = tpu.memref_slice %arg8[%mul3A_14, %dma_start3A_18] : memref<10000x128xf32, #tpu.memory_space<vmem_shared>> -> memref<1000x128xf32, #tpu.memory_space<vmem_shared>>
        tpu.enqueue_dma source(%dma_start3A_19 : memref<1000x128xf32, #tpu.memory_space<vmem_shared>>) target(%dma_start3A_17 : memref<1000x128xf32, #tpu.memory_space<hbm>>) target_semaphore(%run_scoped3A : memref<!tpu.dma_semaphore, #tpu.memory_space<semaphore_mem>>)
        %dma_wait3A = arith.constant 0 : i32
        %dma_wait3A_20 = tpu.memref_slice %arg5[%mul3A_16, %dma_wait3A] : memref<10000x128xf32, #tpu.memory_space<hbm>> -> memref<1000x128xf32, #tpu.memory_space<hbm>>
        %dma_wait3A_21 = arith.constant 0 : i32
        %dma_wait3A_22 = tpu.memref_slice %arg8[%mul3A_14, %dma_wait3A_21] : memref<10000x128xf32, #tpu.memory_space<vmem_shared>> -> memref<1000x128xf32, #tpu.memory_space<vmem_shared>>
        tpu.wait_dma2 semaphore(%run_scoped3A : memref<!tpu.dma_semaphore, #tpu.memory_space<semaphore_mem>>) src(%dma_wait3A_22 : memref<1000x128xf32, #tpu.memory_space<vmem_shared>>) dst(%dma_wait3A_20 : memref<1000x128xf32, #tpu.memory_space<hbm>>)
        tpu.yield
      }) : () -> ()
    } else {
    }
    return
  }
}

module attributes {stable_mosaic.version = 14 : i64} {
  func.func @_layer_body(%arg0: i32, %arg1: memref<2x1000x128xf32, #tpu.memory_space<vmem>>, %arg2: memref<1000x128xf32, #tpu.memory_space<vmem>>, %arg3: memref<2x1000x128xf32, #tpu.memory_space<vmem>>, %arg4: memref<256x256xf32, #tpu.memory_space<vmem>>, %arg5: memref<1x256xf32, #tpu.memory_space<vmem>>, %arg6: memref<256x256xf32, #tpu.memory_space<vmem>>, %arg7: memref<2x1000x128xf32, #tpu.memory_space<vmem>>) attributes {dimension_semantics = [#tpu.dimension_semantics<arbitrary>], iteration_bounds = array<i64: 10>, scalar_prefetch = 0 : i64, scratch_operands = 0 : i64, tpu.core_type = #tpu.core_type<tc>, window_params = [{transform_indices = @transform_0, window_bounds = array<i64: 2, 1000, 128>}, {transform_indices = @transform_1, window_bounds = array<i64: 1000, 128>}, {transform_indices = @transform_2, window_bounds = array<i64: 2, 1000, 128>}, {pipeline_mode = #tpu.pipeline_mode<synchronous>, transform_indices = @transform_3, window_bounds = array<i64: 256, 256>}, {pipeline_mode = #tpu.pipeline_mode<synchronous>, transform_indices = @transform_4, window_bounds = array<i64: 1, 256>}, {pipeline_mode = #tpu.pipeline_mode<synchronous>, transform_indices = @transform_5, window_bounds = array<i64: 256, 256>}, {transform_indices = @transform_6, window_bounds = array<i64: 2, 1000, 128>}]} {
    %get3A = arith.constant 0 : index
    %get3A_0 = arith.constant 0 : index
    %get3A_1 = vector.load %arg2[%get3A, %get3A_0] : memref<1000x128xf32, #tpu.memory_space<vmem>>, vector<1000x1xf32>
    %max3A = arith.constant 1.000000e+00 : f32
    %max3A_2 = vector.broadcast %max3A : f32 to vector<1000x1xf32>
    %max3A_3 = arith.maximumf %get3A_1, %max3A_2 : vector<1000x1xf32>
    %div3A = arith.constant 1.000000e+00 : f32
    %div3A_4 = vector.broadcast %div3A : f32 to vector<1000x1xf32>
    %div3A_5 = arith.divf %div3A_4, %max3A_3 : vector<1000x1xf32>
    %get3A_6 = arith.constant 0 : index
    %get3A_7 = arith.constant 0 : index
    %get3A_8 = arith.constant 0 : index
    %get3A_9 = vector.load %arg1[%get3A_6, %get3A_7, %get3A_8] : memref<2x1000x128xf32, #tpu.memory_space<vmem>>, vector<1x1000x128xf32>
    %get3A_10 = vector.shape_cast %get3A_9 : vector<1x1000x128xf32> to vector<1000x128xf32>
    %mul3A = vector.broadcast %div3A_5 : vector<1000x1xf32> to vector<1000x128xf32>
    %mul3A_11 = arith.mulf %get3A_10, %mul3A : vector<1000x128xf32>
    %get3A_12 = arith.constant 1 : index
    %get3A_13 = arith.constant 0 : index
    %get3A_14 = arith.constant 0 : index
    %get3A_15 = vector.load %arg1[%get3A_12, %get3A_13, %get3A_14] : memref<2x1000x128xf32, #tpu.memory_space<vmem>>, vector<1x1000x128xf32>
    %get3A_16 = vector.shape_cast %get3A_15 : vector<1x1000x128xf32> to vector<1000x128xf32>
    %mul3A_17 = vector.broadcast %div3A_5 : vector<1000x1xf32> to vector<1000x128xf32>
    %mul3A_18 = arith.mulf %get3A_16, %mul3A_17 : vector<1000x128xf32>
    %get3A_19 = arith.constant 0 : index
    %get3A_20 = arith.constant 0 : index
    %get3A_21 = arith.constant 0 : index
    %get3A_22 = vector.load %arg3[%get3A_19, %get3A_20, %get3A_21] : memref<2x1000x128xf32, #tpu.memory_space<vmem>>, vector<1x1000x128xf32>
    %get3A_23 = vector.shape_cast %get3A_22 : vector<1x1000x128xf32> to vector<1000x128xf32>
    %get3A_24 = arith.constant 1 : index
    %get3A_25 = arith.constant 0 : index
    %get3A_26 = arith.constant 0 : index
    %get3A_27 = vector.load %arg3[%get3A_24, %get3A_25, %get3A_26] : memref<2x1000x128xf32, #tpu.memory_space<vmem>>, vector<1x1000x128xf32>
    %get3A_28 = vector.shape_cast %get3A_27 : vector<1x1000x128xf32> to vector<1000x128xf32>
    %get3A_29 = arith.constant 0 : index
    %get3A_30 = arith.constant 0 : index
    %get3A_31 = vector.load %arg4[%get3A_29, %get3A_30] : memref<256x256xf32, #tpu.memory_space<vmem>>, vector<256x256xf32>
    %get3A_32 = arith.constant 0 : index
    %get3A_33 = arith.constant 0 : index
    %get3A_34 = vector.load %arg5[%get3A_32, %get3A_33] : memref<1x256xf32, #tpu.memory_space<vmem>>, vector<1x256xf32>
    %get3A_35 = arith.constant 0 : index
    %get3A_36 = arith.constant 0 : index
    %get3A_37 = vector.load %arg6[%get3A_35, %get3A_36] : memref<256x256xf32, #tpu.memory_space<vmem>>, vector<256x256xf32>
    %slice3A = vector.extract_strided_slice %get3A_31 {offsets = [0, 0], sizes = [128, 128], strides = [1, 1]} : vector<256x256xf32> to vector<128x128xf32>
    %dot_general3A = arith.constant dense<0.000000e+00> : vector<1000x128xf32>
    %dot_general3A_38 = tpu.matmul %mul3A_11, %slice3A, %dot_general3A {dimension_numbers = #tpu.dot_dimension_numbers<[1], [0], [0], [1], [0, 0, 1, 1], [], []>, transpose_lhs_hint = false} : vector<1000x128xf32>, vector<128x128xf32>, vector<1000x128xf32> -> vector<1000x128xf32>
    %slice3A_39 = vector.extract_strided_slice %get3A_31 {offsets = [128, 0], sizes = [128, 128], strides = [1, 1]} : vector<256x256xf32> to vector<128x128xf32>
    %dot_general3A_40 = arith.constant dense<0.000000e+00> : vector<1000x128xf32>
    %dot_general3A_41 = tpu.matmul %mul3A_18, %slice3A_39, %dot_general3A_40 {dimension_numbers = #tpu.dot_dimension_numbers<[1], [0], [0], [1], [0, 0, 1, 1], [], []>, transpose_lhs_hint = false} : vector<1000x128xf32>, vector<128x128xf32>, vector<1000x128xf32> -> vector<1000x128xf32>
    %add3A = arith.addf %dot_general3A_38, %dot_general3A_41 : vector<1000x128xf32>
    %slice3A_42 = vector.extract_strided_slice %get3A_37 {offsets = [0, 0], sizes = [128, 128], strides = [1, 1]} : vector<256x256xf32> to vector<128x128xf32>
    %dot_general3A_43 = arith.constant dense<0.000000e+00> : vector<1000x128xf32>
    %dot_general3A_44 = tpu.matmul %get3A_23, %slice3A_42, %dot_general3A_43 {dimension_numbers = #tpu.dot_dimension_numbers<[1], [0], [0], [1], [0, 0, 1, 1], [], []>, transpose_lhs_hint = false} : vector<1000x128xf32>, vector<128x128xf32>, vector<1000x128xf32> -> vector<1000x128xf32>
    %add3A_45 = arith.addf %add3A, %dot_general3A_44 : vector<1000x128xf32>
    %slice3A_46 = vector.extract_strided_slice %get3A_37 {offsets = [128, 0], sizes = [128, 128], strides = [1, 1]} : vector<256x256xf32> to vector<128x128xf32>
    %dot_general3A_47 = arith.constant dense<0.000000e+00> : vector<1000x128xf32>
    %dot_general3A_48 = tpu.matmul %get3A_28, %slice3A_46, %dot_general3A_47 {dimension_numbers = #tpu.dot_dimension_numbers<[1], [0], [0], [1], [0, 0, 1, 1], [], []>, transpose_lhs_hint = false} : vector<1000x128xf32>, vector<128x128xf32>, vector<1000x128xf32> -> vector<1000x128xf32>
    %add3A_49 = arith.addf %add3A_45, %dot_general3A_48 : vector<1000x128xf32>
    %slice3A_50 = vector.extract_strided_slice %get3A_34 {offsets = [0, 0], sizes = [1, 128], strides = [1, 1]} : vector<1x256xf32> to vector<1x128xf32>
    %add3A_51 = vector.broadcast %slice3A_50 : vector<1x128xf32> to vector<1000x128xf32>
    %add3A_52 = arith.addf %add3A_49, %add3A_51 : vector<1000x128xf32>
    %max3A_53 = arith.constant 0.000000e+00 : f32
    %max3A_54 = vector.broadcast %max3A_53 : f32 to vector<1000x128xf32>
    %max3A_55 = arith.maximumf %add3A_52, %max3A_54 : vector<1000x128xf32>
    %swap3A = arith.constant 0 : index
    %swap3A_56 = arith.constant 0 : index
    %swap3A_57 = arith.constant 0 : index
    %swap3A_58 = vector.load %arg7[%swap3A, %swap3A_56, %swap3A_57] : memref<2x1000x128xf32, #tpu.memory_space<vmem>>, vector<1x1000x128xf32>
    %swap3A_59 = vector.shape_cast %swap3A_58 : vector<1x1000x128xf32> to vector<1000x128xf32>
    %swap3A_60 = vector.shape_cast %max3A_55 : vector<1000x128xf32> to vector<1x1000x128xf32>
    tpu.vector_store %arg7[%swap3A, %swap3A_56, %swap3A_57], %swap3A_60 {strides = array<i32>} : memref<2x1000x128xf32, #tpu.memory_space<vmem>>, vector<1x1000x128xf32>,
    %slice3A_61 = vector.extract_strided_slice %get3A_31 {offsets = [0, 128], sizes = [128, 128], strides = [1, 1]} : vector<256x256xf32> to vector<128x128xf32>
    %dot_general3A_62 = arith.constant dense<0.000000e+00> : vector<1000x128xf32>
    %dot_general3A_63 = tpu.matmul %mul3A_11, %slice3A_61, %dot_general3A_62 {dimension_numbers = #tpu.dot_dimension_numbers<[1], [0], [0], [1], [0, 0, 1, 1], [], []>, transpose_lhs_hint = false} : vector<1000x128xf32>, vector<128x128xf32>, vector<1000x128xf32> -> vector<1000x128xf32>
    %slice3A_64 = vector.extract_strided_slice %get3A_31 {offsets = [128, 128], sizes = [128, 128], strides = [1, 1]} : vector<256x256xf32> to vector<128x128xf32>
    %dot_general3A_65 = arith.constant dense<0.000000e+00> : vector<1000x128xf32>
    %dot_general3A_66 = tpu.matmul %mul3A_18, %slice3A_64, %dot_general3A_65 {dimension_numbers = #tpu.dot_dimension_numbers<[1], [0], [0], [1], [0, 0, 1, 1], [], []>, transpose_lhs_hint = false} : vector<1000x128xf32>, vector<128x128xf32>, vector<1000x128xf32> -> vector<1000x128xf32>
    %add3A_67 = arith.addf %dot_general3A_63, %dot_general3A_66 : vector<1000x128xf32>
    %slice3A_68 = vector.extract_strided_slice %get3A_37 {offsets = [0, 128], sizes = [128, 128], strides = [1, 1]} : vector<256x256xf32> to vector<128x128xf32>
    %dot_general3A_69 = arith.constant dense<0.000000e+00> : vector<1000x128xf32>
    %dot_general3A_70 = tpu.matmul %get3A_23, %slice3A_68, %dot_general3A_69 {dimension_numbers = #tpu.dot_dimension_numbers<[1], [0], [0], [1], [0, 0, 1, 1], [], []>, transpose_lhs_hint = false} : vector<1000x128xf32>, vector<128x128xf32>, vector<1000x128xf32> -> vector<1000x128xf32>
    %add3A_71 = arith.addf %add3A_67, %dot_general3A_70 : vector<1000x128xf32>
    %slice3A_72 = vector.extract_strided_slice %get3A_37 {offsets = [128, 128], sizes = [128, 128], strides = [1, 1]} : vector<256x256xf32> to vector<128x128xf32>
    %dot_general3A_73 = arith.constant dense<0.000000e+00> : vector<1000x128xf32>
    %dot_general3A_74 = tpu.matmul %get3A_28, %slice3A_72, %dot_general3A_73 {dimension_numbers = #tpu.dot_dimension_numbers<[1], [0], [0], [1], [0, 0, 1, 1], [], []>, transpose_lhs_hint = false} : vector<1000x128xf32>, vector<128x128xf32>, vector<1000x128xf32> -> vector<1000x128xf32>
    %add3A_75 = arith.addf %add3A_71, %dot_general3A_74 : vector<1000x128xf32>
    %slice3A_76 = vector.extract_strided_slice %get3A_34 {offsets = [0, 128], sizes = [1, 128], strides = [1, 1]} : vector<1x256xf32> to vector<1x128xf32>
    %add3A_77 = vector.broadcast %slice3A_76 : vector<1x128xf32> to vector<1000x128xf32>
    %add3A_78 = arith.addf %add3A_75, %add3A_77 : vector<1000x128xf32>
    %max3A_79 = arith.constant 0.000000e+00 : f32
    %max3A_80 = vector.broadcast %max3A_79 : f32 to vector<1000x128xf32>
    %max3A_81 = arith.maximumf %add3A_78, %max3A_80 : vector<1000x128xf32>
    %swap3A_82 = arith.constant 1 : index
    %swap3A_83 = arith.constant 0 : index
    %swap3A_84 = arith.constant 0 : index
    %swap3A_85 = vector.load %arg7[%swap3A_82, %swap3A_83, %swap3A_84] : memref<2x1000x128xf32, #tpu.memory_space<vmem>>, vector<1x1000x128xf32>
    %swap3A_86 = vector.shape_cast %swap3A_85 : vector<1x1000x128xf32> to vector<1000x128xf32>
    %swap3A_87 = vector.shape_cast %max3A_81 : vector<1000x128xf32> to vector<1x1000x128xf32>
    tpu.vector_store %arg7[%swap3A_82, %swap3A_83, %swap3A_84], %swap3A_87 {strides = array<i32>} : memref<2x1000x128xf32, #tpu.memory_space<vmem>>, vector<1x1000x128xf32>,
    return
  }
  func.func @transform_0(%arg0: i32) -> (i32, i32, i32) {
    %c0_i32 = arith.constant 0 : i32
    %c0_i32_0 = arith.constant 0 : i32
    %c0_i32_1 = arith.constant 0 : i32
    return %c0_i32, %arg0, %c0_i32_0 : i32, i32, i32
  }
  func.func @transform_1(%arg0: i32) -> (i32, i32) {
    %c0_i32 = arith.constant 0 : i32
    %c0_i32_0 = arith.constant 0 : i32
    return %arg0, %c0_i32 : i32, i32
  }
  func.func @transform_2(%arg0: i32) -> (i32, i32, i32) {
    %c0_i32 = arith.constant 0 : i32
    %c0_i32_0 = arith.constant 0 : i32
    %c0_i32_1 = arith.constant 0 : i32
    return %c0_i32, %arg0, %c0_i32_0 : i32, i32, i32
  }
  func.func @transform_3(%arg0: i32) -> (i32, i32) {
    %c0_i32 = arith.constant 0 : i32
    %c0_i32_0 = arith.constant 0 : i32
    %c0_i32_1 = arith.constant 0 : i32
    return %c0_i32, %c0_i32_0 : i32, i32
  }
  func.func @transform_4(%arg0: i32) -> (i32, i32) {
    %c0_i32 = arith.constant 0 : i32
    %c0_i32_0 = arith.constant 0 : i32
    %c0_i32_1 = arith.constant 0 : i32
    return %c0_i32, %c0_i32_0 : i32, i32
  }
  func.func @transform_5(%arg0: i32) -> (i32, i32) {
    %c0_i32 = arith.constant 0 : i32
    %c0_i32_0 = arith.constant 0 : i32
    %c0_i32_1 = arith.constant 0 : i32
    return %c0_i32, %c0_i32_0 : i32, i32
  }
  func.func @transform_6(%arg0: i32) -> (i32, i32, i32) {
    %c0_i32 = arith.constant 0 : i32
    %c0_i32_0 = arith.constant 0 : i32
    %c0_i32_1 = arith.constant 0 : i32
    return %c0_i32, %arg0, %c0_i32_0 : i32, i32, i32
  }
}

module attributes {stable_mosaic.version = 14 : i64} {
  func.func @_final_body(%arg0: i32, %arg1: memref<2x1000x128xf32, #tpu.memory_space<vmem>>, %arg2: memref<1000x128xf32, #tpu.memory_space<vmem>>, %arg3: memref<2x1000x128xf32, #tpu.memory_space<vmem>>, %arg4: memref<256x256xf32, #tpu.memory_space<vmem>>, %arg5: memref<1x256xf32, #tpu.memory_space<vmem>>, %arg6: memref<256x256xf32, #tpu.memory_space<vmem>>, %arg7: memref<256x256xf32, #tpu.memory_space<vmem>>, %arg8: memref<1x256xf32, #tpu.memory_space<vmem>>, %arg9: memref<256x128xf32, #tpu.memory_space<vmem>>, %arg10: memref<1x128xf32, #tpu.memory_space<vmem>>, %arg11: memref<1000x128xf32, #tpu.memory_space<vmem>>) attributes {dimension_semantics = [#tpu.dimension_semantics<arbitrary>], iteration_bounds = array<i64: 10>, scalar_prefetch = 0 : i64, scratch_operands = 0 : i64, tpu.core_type = #tpu.core_type<tc>, window_params = [{transform_indices = @transform_0, window_bounds = array<i64: 2, 1000, 128>}, {transform_indices = @transform_1, window_bounds = array<i64: 1000, 128>}, {transform_indices = @transform_2, window_bounds = array<i64: 2, 1000, 128>}, {pipeline_mode = #tpu.pipeline_mode<synchronous>, transform_indices = @transform_3, window_bounds = array<i64: 256, 256>}, {pipeline_mode = #tpu.pipeline_mode<synchronous>, transform_indices = @transform_4, window_bounds = array<i64: 1, 256>}, {pipeline_mode = #tpu.pipeline_mode<synchronous>, transform_indices = @transform_5, window_bounds = array<i64: 256, 256>}, {pipeline_mode = #tpu.pipeline_mode<synchronous>, transform_indices = @transform_6, window_bounds = array<i64: 256, 256>}, {pipeline_mode = #tpu.pipeline_mode<synchronous>, transform_indices = @transform_7, window_bounds = array<i64: 1, 256>}, {pipeline_mode = #tpu.pipeline_mode<synchronous>, transform_indices = @transform_8, window_bounds = array<i64: 256, 128>}, {pipeline_mode = #tpu.pipeline_mode<synchronous>, transform_indices = @transform_9, window_bounds = array<i64: 1, 128>}, {transform_indices = @transform_10, window_bounds = array<i64: 1000, 128>}]} {
    %get3A = arith.constant 0 : index
    %get3A_0 = arith.constant 0 : index
    %get3A_1 = vector.load %arg2[%get3A, %get3A_0] : memref<1000x128xf32, #tpu.memory_space<vmem>>, vector<1000x1xf32>
    %max3A = arith.constant 1.000000e+00 : f32
    %max3A_2 = vector.broadcast %max3A : f32 to vector<1000x1xf32>
    %max3A_3 = arith.maximumf %get3A_1, %max3A_2 : vector<1000x1xf32>
    %div3A = arith.constant 1.000000e+00 : f32
    %div3A_4 = vector.broadcast %div3A : f32 to vector<1000x1xf32>
    %div3A_5 = arith.divf %div3A_4, %max3A_3 : vector<1000x1xf32>
    %get3A_6 = arith.constant 0 : index
    %get3A_7 = arith.constant 0 : index
    %get3A_8 = arith.constant 0 : index
    %get3A_9 = vector.load %arg1[%get3A_6, %get3A_7, %get3A_8] : memref<2x1000x128xf32, #tpu.memory_space<vmem>>, vector<1x1000x128xf32>
    %get3A_10 = vector.shape_cast %get3A_9 : vector<1x1000x128xf32> to vector<1000x128xf32>
    %mul3A = vector.broadcast %div3A_5 : vector<1000x1xf32> to vector<1000x128xf32>
    %mul3A_11 = arith.mulf %get3A_10, %mul3A : vector<1000x128xf32>
    %get3A_12 = arith.constant 1 : index
    %get3A_13 = arith.constant 0 : index
    %get3A_14 = arith.constant 0 : index
    %get3A_15 = vector.load %arg1[%get3A_12, %get3A_13, %get3A_14] : memref<2x1000x128xf32, #tpu.memory_space<vmem>>, vector<1x1000x128xf32>
    %get3A_16 = vector.shape_cast %get3A_15 : vector<1x1000x128xf32> to vector<1000x128xf32>
    %mul3A_17 = vector.broadcast %div3A_5 : vector<1000x1xf32> to vector<1000x128xf32>
    %mul3A_18 = arith.mulf %get3A_16, %mul3A_17 : vector<1000x128xf32>
    %get3A_19 = arith.constant 0 : index
    %get3A_20 = arith.constant 0 : index
    %get3A_21 = arith.constant 0 : index
    %get3A_22 = vector.load %arg3[%get3A_19, %get3A_20, %get3A_21] : memref<2x1000x128xf32, #tpu.memory_space<vmem>>, vector<1x1000x128xf32>
    %get3A_23 = vector.shape_cast %get3A_22 : vector<1x1000x128xf32> to vector<1000x128xf32>
    %get3A_24 = arith.constant 1 : index
    %get3A_25 = arith.constant 0 : index
    %get3A_26 = arith.constant 0 : index
    %get3A_27 = vector.load %arg3[%get3A_24, %get3A_25, %get3A_26] : memref<2x1000x128xf32, #tpu.memory_space<vmem>>, vector<1x1000x128xf32>
    %get3A_28 = vector.shape_cast %get3A_27 : vector<1x1000x128xf32> to vector<1000x128xf32>
    %get3A_29 = arith.constant 0 : index
    %get3A_30 = arith.constant 0 : index
    %get3A_31 = vector.load %arg4[%get3A_29, %get3A_30] : memref<256x256xf32, #tpu.memory_space<vmem>>, vector<256x256xf32>
    %get3A_32 = arith.constant 0 : index
    %get3A_33 = arith.constant 0 : index
    %get3A_34 = vector.load %arg5[%get3A_32, %get3A_33] : memref<1x256xf32, #tpu.memory_space<vmem>>, vector<1x256xf32>
    %get3A_35 = arith.constant 0 : index
    %get3A_36 = arith.constant 0 : index
    %get3A_37 = vector.load %arg6[%get3A_35, %get3A_36] : memref<256x256xf32, #tpu.memory_space<vmem>>, vector<256x256xf32>
    %slice3A = vector.extract_strided_slice %get3A_31 {offsets = [0, 0], sizes = [128, 128], strides = [1, 1]} : vector<256x256xf32> to vector<128x128xf32>
    %dot_general3A = arith.constant dense<0.000000e+00> : vector<1000x128xf32>
    %dot_general3A_38 = tpu.matmul %mul3A_11, %slice3A, %dot_general3A {dimension_numbers = #tpu.dot_dimension_numbers<[1], [0], [0], [1], [0, 0, 1, 1], [], []>, transpose_lhs_hint = false} : vector<1000x128xf32>, vector<128x128xf32>, vector<1000x128xf32> -> vector<1000x128xf32>
    %slice3A_39 = vector.extract_strided_slice %get3A_31 {offsets = [128, 0], sizes = [128, 128], strides = [1, 1]} : vector<256x256xf32> to vector<128x128xf32>
    %dot_general3A_40 = arith.constant dense<0.000000e+00> : vector<1000x128xf32>
    %dot_general3A_41 = tpu.matmul %mul3A_18, %slice3A_39, %dot_general3A_40 {dimension_numbers = #tpu.dot_dimension_numbers<[1], [0], [0], [1], [0, 0, 1, 1], [], []>, transpose_lhs_hint = false} : vector<1000x128xf32>, vector<128x128xf32>, vector<1000x128xf32> -> vector<1000x128xf32>
    %add3A = arith.addf %dot_general3A_38, %dot_general3A_41 : vector<1000x128xf32>
    %slice3A_42 = vector.extract_strided_slice %get3A_37 {offsets = [0, 0], sizes = [128, 128], strides = [1, 1]} : vector<256x256xf32> to vector<128x128xf32>
    %dot_general3A_43 = arith.constant dense<0.000000e+00> : vector<1000x128xf32>
    %dot_general3A_44 = tpu.matmul %get3A_23, %slice3A_42, %dot_general3A_43 {dimension_numbers = #tpu.dot_dimension_numbers<[1], [0], [0], [1], [0, 0, 1, 1], [], []>, transpose_lhs_hint = false} : vector<1000x128xf32>, vector<128x128xf32>, vector<1000x128xf32> -> vector<1000x128xf32>
    %add3A_45 = arith.addf %add3A, %dot_general3A_44 : vector<1000x128xf32>
    %slice3A_46 = vector.extract_strided_slice %get3A_37 {offsets = [128, 0], sizes = [128, 128], strides = [1, 1]} : vector<256x256xf32> to vector<128x128xf32>
    %dot_general3A_47 = arith.constant dense<0.000000e+00> : vector<1000x128xf32>
    %dot_general3A_48 = tpu.matmul %get3A_28, %slice3A_46, %dot_general3A_47 {dimension_numbers = #tpu.dot_dimension_numbers<[1], [0], [0], [1], [0, 0, 1, 1], [], []>, transpose_lhs_hint = false} : vector<1000x128xf32>, vector<128x128xf32>, vector<1000x128xf32> -> vector<1000x128xf32>
    %add3A_49 = arith.addf %add3A_45, %dot_general3A_48 : vector<1000x128xf32>
    %slice3A_50 = vector.extract_strided_slice %get3A_34 {offsets = [0, 0], sizes = [1, 128], strides = [1, 1]} : vector<1x256xf32> to vector<1x128xf32>
    %add3A_51 = vector.broadcast %slice3A_50 : vector<1x128xf32> to vector<1000x128xf32>
    %add3A_52 = arith.addf %add3A_49, %add3A_51 : vector<1000x128xf32>
    %max3A_53 = arith.constant 0.000000e+00 : f32
    %max3A_54 = vector.broadcast %max3A_53 : f32 to vector<1000x128xf32>
    %max3A_55 = arith.maximumf %add3A_52, %max3A_54 : vector<1000x128xf32>
    %slice3A_56 = vector.extract_strided_slice %get3A_31 {offsets = [0, 128], sizes = [128, 128], strides = [1, 1]} : vector<256x256xf32> to vector<128x128xf32>
    %dot_general3A_57 = arith.constant dense<0.000000e+00> : vector<1000x128xf32>
    %dot_general3A_58 = tpu.matmul %mul3A_11, %slice3A_56, %dot_general3A_57 {dimension_numbers = #tpu.dot_dimension_numbers<[1], [0], [0], [1], [0, 0, 1, 1], [], []>, transpose_lhs_hint = false} : vector<1000x128xf32>, vector<128x128xf32>, vector<1000x128xf32> -> vector<1000x128xf32>
    %slice3A_59 = vector.extract_strided_slice %get3A_31 {offsets = [128, 128], sizes = [128, 128], strides = [1, 1]} : vector<256x256xf32> to vector<128x128xf32>
    %dot_general3A_60 = arith.constant dense<0.000000e+00> : vector<1000x128xf32>
    %dot_general3A_61 = tpu.matmul %mul3A_18, %slice3A_59, %dot_general3A_60 {dimension_numbers = #tpu.dot_dimension_numbers<[1], [0], [0], [1], [0, 0, 1, 1], [], []>, transpose_lhs_hint = false} : vector<1000x128xf32>, vector<128x128xf32>, vector<1000x128xf32> -> vector<1000x128xf32>
    %add3A_62 = arith.addf %dot_general3A_58, %dot_general3A_61 : vector<1000x128xf32>
    %slice3A_63 = vector.extract_strided_slice %get3A_37 {offsets = [0, 128], sizes = [128, 128], strides = [1, 1]} : vector<256x256xf32> to vector<128x128xf32>
    %dot_general3A_64 = arith.constant dense<0.000000e+00> : vector<1000x128xf32>
    %dot_general3A_65 = tpu.matmul %get3A_23, %slice3A_63, %dot_general3A_64 {dimension_numbers = #tpu.dot_dimension_numbers<[1], [0], [0], [1], [0, 0, 1, 1], [], []>, transpose_lhs_hint = false} : vector<1000x128xf32>, vector<128x128xf32>, vector<1000x128xf32> -> vector<1000x128xf32>
    %add3A_66 = arith.addf %add3A_62, %dot_general3A_65 : vector<1000x128xf32>
    %slice3A_67 = vector.extract_strided_slice %get3A_37 {offsets = [128, 128], sizes = [128, 128], strides = [1, 1]} : vector<256x256xf32> to vector<128x128xf32>
    %dot_general3A_68 = arith.constant dense<0.000000e+00> : vector<1000x128xf32>
    %dot_general3A_69 = tpu.matmul %get3A_28, %slice3A_67, %dot_general3A_68 {dimension_numbers = #tpu.dot_dimension_numbers<[1], [0], [0], [1], [0, 0, 1, 1], [], []>, transpose_lhs_hint = false} : vector<1000x128xf32>, vector<128x128xf32>, vector<1000x128xf32> -> vector<1000x128xf32>
    %add3A_70 = arith.addf %add3A_66, %dot_general3A_69 : vector<1000x128xf32>
    %slice3A_71 = vector.extract_strided_slice %get3A_34 {offsets = [0, 128], sizes = [1, 128], strides = [1, 1]} : vector<1x256xf32> to vector<1x128xf32>
    %add3A_72 = vector.broadcast %slice3A_71 : vector<1x128xf32> to vector<1000x128xf32>
    %add3A_73 = arith.addf %add3A_70, %add3A_72 : vector<1000x128xf32>
    %max3A_74 = arith.constant 0.000000e+00 : f32
    %max3A_75 = vector.broadcast %max3A_74 : f32 to vector<1000x128xf32>
    %max3A_76 = arith.maximumf %add3A_73, %max3A_75 : vector<1000x128xf32>
    %get3A_77 = arith.constant 0 : index
    %get3A_78 = arith.constant 0 : index
    %get3A_79 = vector.load %arg7[%get3A_77, %get3A_78] : memref<256x256xf32, #tpu.memory_space<vmem>>, vector<256x256xf32>
    %slice3A_80 = vector.extract_strided_slice %get3A_79 {offsets = [0, 0], sizes = [128, 256], strides = [1, 1]} : vector<256x256xf32> to vector<128x256xf32>
    %dot_general3A_81 = arith.constant dense<0.000000e+00> : vector<1000x256xf32>
    %dot_general3A_82 = tpu.matmul %max3A_55, %slice3A_80, %dot_general3A_81 {dimension_numbers = #tpu.dot_dimension_numbers<[1], [0], [0], [1], [0, 0, 1, 1], [], []>, transpose_lhs_hint = false} : vector<1000x128xf32>, vector<128x256xf32>, vector<1000x256xf32> -> vector<1000x256xf32>
    %slice3A_83 = vector.extract_strided_slice %get3A_79 {offsets = [128, 0], sizes = [128, 256], strides = [1, 1]} : vector<256x256xf32> to vector<128x256xf32>
    %dot_general3A_84 = arith.constant dense<0.000000e+00> : vector<1000x256xf32>
    %dot_general3A_85 = tpu.matmul %max3A_76, %slice3A_83, %dot_general3A_84 {dimension_numbers = #tpu.dot_dimension_numbers<[1], [0], [0], [1], [0, 0, 1, 1], [], []>, transpose_lhs_hint = false} : vector<1000x128xf32>, vector<128x256xf32>, vector<1000x256xf32> -> vector<1000x256xf32>
    %add3A_86 = arith.addf %dot_general3A_82, %dot_general3A_85 : vector<1000x256xf32>
    %get3A_87 = arith.constant 0 : index
    %get3A_88 = arith.constant 0 : index
    %get3A_89 = vector.load %arg8[%get3A_87, %get3A_88] : memref<1x256xf32, #tpu.memory_space<vmem>>, vector<1x256xf32>
    %add3A_90 = vector.broadcast %get3A_89 : vector<1x256xf32> to vector<1000x256xf32>
    %add3A_91 = arith.addf %add3A_86, %add3A_90 : vector<1000x256xf32>
    %get3A_92 = arith.constant 0 : index
    %get3A_93 = arith.constant 0 : index
    %get3A_94 = vector.load %arg9[%get3A_92, %get3A_93] : memref<256x128xf32, #tpu.memory_space<vmem>>, vector<256x128xf32>
    %dot_general3A_95 = arith.constant dense<0.000000e+00> : vector<1000x128xf32>
    %dot_general3A_96 = tpu.matmul %add3A_91, %get3A_94, %dot_general3A_95 {dimension_numbers = #tpu.dot_dimension_numbers<[1], [0], [0], [1], [0, 0, 1, 1], [], []>, transpose_lhs_hint = false} : vector<1000x256xf32>, vector<256x128xf32>, vector<1000x128xf32> -> vector<1000x128xf32>
    %get3A_97 = arith.constant 0 : index
    %get3A_98 = arith.constant 0 : index
    %get3A_99 = vector.load %arg10[%get3A_97, %get3A_98] : memref<1x128xf32, #tpu.memory_space<vmem>>, vector<1x128xf32>
    %add3A_100 = vector.broadcast %get3A_99 : vector<1x128xf32> to vector<1000x128xf32>
    %add3A_101 = arith.addf %dot_general3A_96, %add3A_100 : vector<1000x128xf32>
    %reduce_max3A = arith.constant dense<0xFF800000> : vector<1000xf32>
    %reduce_max3A_102 = vector.multi_reduction <maximumf>, %add3A_101, %reduce_max3A [1] : vector<1000x128xf32> to vector<1000xf32>
    %broadcast_in_dim3A = vector.shape_cast %reduce_max3A_102 : vector<1000xf32> to vector<1000x1xf32>
    %sub3A = vector.broadcast %broadcast_in_dim3A : vector<1000x1xf32> to vector<1000x128xf32>
    %sub3A_103 = arith.subf %add3A_101, %sub3A : vector<1000x128xf32>
    %exp3A = math.exp %sub3A_103 : vector<1000x128xf32>
    %reduce_sum3A = arith.constant dense<0.000000e+00> : vector<1000xf32>
    %reduce_sum3A_104 = vector.multi_reduction <add>, %exp3A, %reduce_sum3A [1] : vector<1000x128xf32> to vector<1000xf32>
    %broadcast_in_dim3A_105 = vector.shape_cast %reduce_sum3A_104 : vector<1000xf32> to vector<1000x1xf32>
    %log3A = math.log %broadcast_in_dim3A_105 : vector<1000x1xf32>
    %add3A_106 = arith.addf %broadcast_in_dim3A, %log3A : vector<1000x1xf32>
    %sub3A_107 = vector.broadcast %add3A_106 : vector<1000x1xf32> to vector<1000x128xf32>
    %sub3A_108 = arith.subf %add3A_101, %sub3A_107 : vector<1000x128xf32>
    %swap3A = arith.constant 0 : index
    %swap3A_109 = arith.constant 0 : index
    %swap3A_110 = vector.load %arg11[%swap3A, %swap3A_109] : memref<1000x128xf32, #tpu.memory_space<vmem>>, vector<1000x128xf32>
    tpu.vector_store %arg11[%swap3A, %swap3A_109], %sub3A_108 {strides = array<i32>} : memref<1000x128xf32, #tpu.memory_space<vmem>>, vector<1000x128xf32>,
    return
  }
  func.func @transform_0(%arg0: i32) -> (i32, i32, i32) {
    %c0_i32 = arith.constant 0 : i32
    %c0_i32_0 = arith.constant 0 : i32
    %c0_i32_1 = arith.constant 0 : i32
    return %c0_i32, %arg0, %c0_i32_0 : i32, i32, i32
  }
  func.func @transform_1(%arg0: i32) -> (i32, i32) {
    %c0_i32 = arith.constant 0 : i32
    %c0_i32_0 = arith.constant 0 : i32
    return %arg0, %c0_i32 : i32, i32
  }
  func.func @transform_2(%arg0: i32) -> (i32, i32, i32) {
    %c0_i32 = arith.constant 0 : i32
    %c0_i32_0 = arith.constant 0 : i32
    %c0_i32_1 = arith.constant 0 : i32
    return %c0_i32, %arg0, %c0_i32_0 : i32, i32, i32
  }
  func.func @transform_3(%arg0: i32) -> (i32, i32) {
    %c0_i32 = arith.constant 0 : i32
    %c0_i32_0 = arith.constant 0 : i32
    %c0_i32_1 = arith.constant 0 : i32
    return %c0_i32, %c0_i32_0 : i32, i32
  }
  func.func @transform_4(%arg0: i32) -> (i32, i32) {
    %c0_i32 = arith.constant 0 : i32
    %c0_i32_0 = arith.constant 0 : i32
    %c0_i32_1 = arith.constant 0 : i32
    return %c0_i32, %c0_i32_0 : i32, i32
  }
  func.func @transform_5(%arg0: i32) -> (i32, i32) {
    %c0_i32 = arith.constant 0 : i32
    %c0_i32_0 = arith.constant 0 : i32
    %c0_i32_1 = arith.constant 0 : i32
    return %c0_i32, %c0_i32_0 : i32, i32
  }
  func.func @transform_6(%arg0: i32) -> (i32, i32) {
    %c0_i32 = arith.constant 0 : i32
    %c0_i32_0 = arith.constant 0 : i32
    %c0_i32_1 = arith.constant 0 : i32
    return %c0_i32, %c0_i32_0 : i32, i32
  }
  func.func @transform_7(%arg0: i32) -> (i32, i32) {
    %c0_i32 = arith.constant 0 : i32
    %c0_i32_0 = arith.constant 0 : i32
    %c0_i32_1 = arith.constant 0 : i32
    return %c0_i32, %c0_i32_0 : i32, i32
  }
  func.func @transform_8(%arg0: i32) -> (i32, i32) {
    %c0_i32 = arith.constant 0 : i32
    %c0_i32_0 = arith.constant 0 : i32
    %c0_i32_1 = arith.constant 0 : i32
    return %c0_i32, %c0_i32_0 : i32, i32
  }
  func.func @transform_9(%arg0: i32) -> (i32, i32) {
    %c0_i32 = arith.constant 0 : i32
    %c0_i32_0 = arith.constant 0 : i32
    %c0_i32_1 = arith.constant 0 : i32
    return %c0_i32, %c0_i32_0 : i32, i32
  }
  func.func @transform_10(%arg0: i32) -> (i32, i32) {
    %c0_i32 = arith.constant 0 : i32
    %c0_i32_0 = arith.constant 0 : i32
    return %arg0, %c0_i32 : i32, i32
  }
}

</mosaic_0001>

<sc_bundles>
// kernel: kernel.12.cloned.1.call-start
scs
__scs_entry_jumppad:
0x0: {  	(pc) =	sbr.rel $0x88, $3  }
0x1: {  	(tag) =	ssettag $0x0;
	lr =	simm.s32 $0x1  }
0x2: {  	[smem:$0x3F92] =	sst lr;
	_ =	strace $0xD0000000  }
0x3: {  	_ = 	snop  }
0x4: {  	_ = 	snop  }
0x5: {  	_ = 	snop  }
0x6: {  	_ = 	snop  }
0x7: {  	_ = 	snop  }
__scs_overlays_trampoline_lowered:
0x8: {  	[smem:$0x3FA1] =	sst s0  }
0x9: {  	[smem:$0x3FA2] =	sst s1  }
0xa: {  	[smem:$0x3FA3] =	sst s2  }
0xb: {  	[smem:$0x3FA4] =	sst s3  }
0xc: {  	[smem:$0x3FA5] =	sst s4  }
0xd: {  	[smem:$0x3FA6] =	sst s5  }
0xe: {  	[smem:$0x3FA7] =	sst s6  }
0xf: {  	[smem:$0x3FA8] =	sst s7  }
0x10: {  	[smem:$0x3FA9] =	sst s8  }
0x11: {  	[smem:$0x3FAA] =	sst s9;
	s0 =	simm.s32 @!p0 $0x0  }
0x12: {  	s1 =	sld [smem:$0x3F90];
	s0 =	simm.s32 @p0 $0x1  }
0x13: {  	[smem:$0x3FAB] =	sst s0;
	s0 =	simm.s32 @!p1 $0x0  }
0x14: {  	s2 =	sld [smem:$0x3F8F];
	s0 =	simm.s32 @p1 $0x1  }
0x15: {  	[smem:$0x3FAC] =	sst s0;
	s0 =	simm.s32 @!p2 $0x0  }
0x16: {  	s3 =	sld [smem:$0x3FDB];
	s0 =	simm.s32 @p2 $0x1  }
0x17: {  	s4 =	simm.s32 $0x1BF5;
	[smem:$0x3FAE] =	sst s0  }
0x18: {  	s0 =	sld [smem:$0x3F91];
	_ =	swait.ge [sflag:s4], $0x0  }
0x19: {  	s7 =	sld [smem:$0x3F92]  }
0x1a: {  	s8 =	sadd.s32 $0xFFFFE003, lr  }
0x1b: {  	s9 =	sadd.s32 $0xFFFFFEF7, lr;
	s5 =	simm.s32 $0xFFFFFFFF;
	p2 =	slt.u32 s8, $0xFFFFF086  }
0x1c: {  	p1 =	slt.u32 s9, $0xF7A;
	s5 =	simm.s32 @!p2 $0x0  }
0x1d: {  	s5 =	simm.s32 @p1 $0x1;
	p0 =	seq.s32 s7, s2  }
0x1e: {  	s7 =	smul.u32 @!p0 $0xF7A, s2;
	p2 =	seq.s32 @!p0 s5, $0x0  }
0x1f: {  	s9 =	smul.u32 $0xF7A, s1;
	s8 =	simm.s32 @!p0 $0x1BF5;
	p2 =	por !p2, p0  }
0x20: {  	[sflag:s8] =	ssyncset.s32 @!p0 $0xFFFFF086;
	s6 =	sadd.s32 @!p0 s3, s7;
	s7 =	simm.s32 @!p0 $0x108  }
0x21: {  	s3 =	sadd.s32 s3, s9;
	s6 =	sadd.s32 @!p0 $0x88, s6;
	s7 =	simm.s32 @p2 $0x1082  }
0x22: {  	[simem:s7], [sflag:s8] =	dma.local @!p0 [hbm:s6], $0xF7A  }
0x23: {  	s9 =	sor.u32 $0xD0000000, s2;
	s6 =	simm.s32 $0x108;
	_ =	swait.ge @!p0 [sflag:s8], $0x0  }
0x24: {  	s3 =	sadd.s32 $0x88, s3;
	s6 =	simm.s32 @!p1 $0x1082;
	[sflag:s4] =	ssyncset.s32 $0xFFFFF086  }
0x25: {  	[simem:s6], [sflag:s4] =	dma.local [hbm:s3], $0xF7A  }
0x26: {  	[smem:$0x3F92] =	sst s1;
	(tag) =	ssettag s2;
	_ =	strace s9  }
0x27: {  	s1 =	sld [smem:$0x3FA2]  }
0x28: {  	s2 =	sld [smem:$0x3FA3]  }
0x29: {  	s4 =	sld [smem:$0x3FA5]  }
0x2a: {  	p0 =	seq.s32 s5, $0x0;
	s5 =	sld [smem:$0x3FA6]  }
0x2b: {  	s6 =	sld [smem:$0x3FA7]  }
0x2c: {  	s7 =	sld [smem:$0x3FA8]  }
0x2d: {  	s3 =	simm.s32 $0x108;
	s8 =	sld [smem:$0x3FA9]  }
0x2e: {  	s3 =	simm.s32 @!p0 $0x1082;
	s9 =	sld [smem:$0x3FAA]  }
0x2f: {  	lr =	sadd.s32 s0, s3;
	s0 =	sld [smem:$0x3FA1]  }
0x30: {  	s3 =	sld [smem:$0x3FA4]  }
0x31: {  	[smem:$0x3FAD] =	sst s10  }
0x32: {  	s10 =	sld [smem:$0x3FAB];
	_ =	sdelay $0x3  }
0x33: {  	p0 =	seq.s32 s10, $0x1;
	s10 =	sld [smem:$0x3FAD];
	_ =	sdelay $0x3  }
0x34: {  	[smem:$0x3FAD] =	sst s10  }
0x35: {  	s10 =	sld [smem:$0x3FAC];
	_ =	sdelay $0x3  }
0x36: {  	p1 =	seq.s32 s10, $0x1;
	s10 =	sld [smem:$0x3FAD];
	_ =	sdelay $0x3  }
0x37: {  	[smem:$0x3FAD] =	sst s10  }
0x38: {  	s10 =	sld [smem:$0x3FAE]  }
0x39: {  	_ = 	snop;
	(pc) =	sbr.ind lr, $3  }
0x3a: {  	_ = 	snop  }
0x3b: {  	_ = 	snop  }
0x3c: {  	p2 =	seq.s32 s10, $0x1;
	s10 =	sld [smem:$0x3FAD]  }
0x3d: {  	_ =	shalt  }
0x3e: {  	_ =	shalt  }
0x3f: {  	_ =	shalt  }
0x40: {  	_ =	shalt  }
0x41: {  	_ =	shalt  }
0x42: {  	_ =	shalt  }
0x43: {  	_ =	shalt  }
0x44: {  	_ =	shalt  }
0x45: {  	_ =	shalt  }
0x46: {  	_ =	shalt  }
0x47: {  	_ =	shalt  }
0x48: {  	_ =	shalt  }
0x49: {  	_ =	shalt  }
0x4a: {  	_ =	shalt  }
0x4b: {  	_ =	shalt  }
0x4c: {  	_ =	shalt  }
0x4d: {  	_ =	shalt  }
0x4e: {  	_ =	shalt  }
0x4f: {  	_ =	shalt  }
0x50: {  	_ =	shalt  }
0x51: {  	_ =	shalt  }
0x52: {  	_ =	shalt  }
0x53: {  	_ =	shalt  }
0x54: {  	_ =	shalt  }
0x55: {  	_ =	shalt  }
0x56: {  	_ =	shalt  }
0x57: {  	_ =	shalt  }
0x58: {  	_ =	shalt  }
0x59: {  	_ =	shalt  }
0x5a: {  	_ =	shalt  }
0x5b: {  	_ =	shalt  }
0x5c: {  	_ =	shalt  }
0x5d: {  	_ =	shalt  }
0x5e: {  	_ =	shalt  }
0x5f: {  	_ =	shalt  }
0x60: {  	_ =	shalt  }
0x61: {  	_ =	shalt  }
0x62: {  	_ =	shalt  }
0x63: {  	_ =	shalt  }
0x64: {  	_ =	shalt  }
0x65: {  	_ =	shalt  }
0x66: {  	_ =	shalt  }
0x67: {  	_ =	shalt  }
0x68: {  	_ =	shalt  }
0x69: {  	_ =	shalt  }
0x6a: {  	_ =	shalt  }
0x6b: {  	_ =	shalt  }
0x6c: {  	_ =	shalt  }
0x6d: {  	_ =	shalt  }
0x6e: {  	_ =	shalt  }
0x6f: {  	_ =	shalt  }
0x70: {  	_ =	shalt  }
0x71: {  	_ =	shalt  }
0x72: {  	_ =	shalt  }
0x73: {  	_ =	shalt  }
0x74: {  	_ =	shalt  }
0x75: {  	_ =	shalt  }
0x76: {  	_ =	shalt  }
0x77: {  	_ =	shalt  }
0x78: {  	_ =	shalt  }
0x79: {  	_ =	shalt  }
0x7a: {  	_ =	shalt  }
0x7b: {  	_ =	shalt  }
0x7c: {  	_ =	shalt  }
0x7d: {  	_ =	shalt  }
0x7e: {  	_ =	shalt  }
0x7f: {  	_ =	shalt  }
0x80: {  	_ =	shalt  }
0x81: {  	_ =	shalt  }
0x82: {  	_ =	shalt  }
0x83: {  	_ =	shalt  }
0x84: {  	_ =	shalt  }
0x85: {  	_ =	shalt  }
0x86: {  	_ =	shalt  }
0x87: {  	_ =	shalt  }
.Lfunc_end0:
.L_simem_size_0:
called_computation.1_lowered:
.L_overlay_start_0:
0x88: {  	s2 =	sld [smem:$0x3FD9]  }
0x89: {  	s3 =	sld [smem:$0x3FFE];
	_ =	sdelay $0x1  }
0x8a: {  	s1 =	srdreg.scid  }
0x8b: {  	s0 =	sand.u32 $0x1, s1  }
0x8c: {  	s16 =	sshll.u32 s0, $0xA;
	s2 =	sadd.s32 s3, s2  }
0x8d: {  	s2 =	sadd.s32 s2, s16  }
0x8e: {  	[smem:$0x3FB9] =	sst s2  }
0x8f: {  	_ = 	snop  }
0x90: {  	(tm) =	ssettm $0x1  }
0x91: {  	s17 =	sld [smem:$0x3FFB];
	_ =	sdelay $0x3  }
0x92: {  	_ =	strace s17  }
0x93: {  	s2 =	sld [smem:$0x3FFC];
	_ =	sdelay $0x3  }
0x94: {  	_ =	strace s2  }
0x95: {  	s2 =	sld [smem:$0x3FFD];
	_ =	sdelay $0x3  }
0x96: {  	_ =	strace s2  }
0x97: {  	_ =	strace $0x8FFFFFFF  }
0x98: {  	s18 =	sld [smem:$0x3FDB];
	_ =	sdelay $0x1  }
0x99: {  	s19 =	simm.s32 $_scs_section_size  }
0x9a: {  	s4 =	simm.s32 $_size__tile_overlayer_lowered;
	s5 =	simm.s32 $_tile_overlayer_lowered  }
0x9b: {  	s22 =	simm.s32 $0x1BFF;
	s21 =	sshll.u32 s5, $0x1;
	s2 =	sadd.s32 s19, s18  }
0x9c: {  	s6 =	simm.s32 $0x0;
	s20 =	sshll.u32 s4, $0x1;
	s4 =	sadd.s32 s21, s2  }
0x9d: {  	[timem:s6], [sflag:s22] =	dma.local [hbm:s4], s20  }
0x9e: {  	_ =	swait.ge [sflag:s22], s20  }
0x9f: {  	s3 =	ssub.s32 $0x0, s20;
	[sflag:s22] =	ssyncset.done $0x0  }
0xa0: {  	[sflag:s22] =	ssyncadd.s32 s3;
	_ =	sdelay $0x1  }
0xa1: {  	s23 =	simm.s32 $0x1B8B  }
0xa2: {  	_ =	swait.ge [sflag:s23], $0x1  }
0xa3: {  	[sflag:s23] =	ssyncset.done $0x0  }
0xa4: {  	s25 =	simm.s32 $0x1B8E;
	s24 =	sld [smem:$0x3FFE];
	[sflag:s23] =	ssyncadd.s32 $0xFFFFFFFF  }
0xa5: {  	s26 =	simm.s32 $execute0_lowered;
	[smem:$0x3FD2] =	sst s25  }
0xa6: {  	s4 =	sshll.u32 s26, $0x1;
	_ =	strace $0x80000046;
	[dreg:$0x1] =	wrdreg $0xFFFFFFFF  }
0xa7: {  	s28 =	simm.s32 $_size_execute0_lowered;
	s2 =	sadd.s32 s2, s4;
	[dreg:$0x0] =	wrdreg $0x0  }
0xa8: {  	s4 =	sshll.u32 s28, $0x1;
	[dreg:$0x2] =	wrdreg s2  }
0xa9: {  	[dreg:$0x3] =	wrdreg s4  }
0xaa: {  	[dreg:$0x4] =	wrdreg $0xC0  }
0xab: {  	_ =	task [dreg:s6], $0x5FFFF  }
0xac: {  	[dreg:$0x1] =	wrdreg $0xFFFFFFFF  }
0xad: {  	[dreg:$0x0] =	wrdreg $0x60  }
0xae: {  	[dreg:$0x2] =	wrdreg s24  }
0xaf: {  	[dreg:$0x3] =	wrdreg $0xA8000  }
0xb0: {  	[dreg:$0x4] =	wrdreg $0xA  }
0xb1: {  	_ =	task.clear_ibuf [dreg:s6], $0x5FFFF;
	_ =	strace $0x90000046  }
0xb2: {  	s29 =	simm.s32 $0xA;
	_ =	strace $0x80000048  }
0xb3: {  	_ =	swait.ge [sflag:s29], $0x1  }
0xb4: {  	[sflag:s29] =	ssyncadd.s32 $0xFFFFFFFF  }
0xb5: {  	_ =	strace $0x90000048  }
0xb6: {  	_ =	sfence  }
0xb7: {  	s30 =	sld [smem:$0x0];
	_ =	sdelay $0x2  }
0xb8: {  	s31 =	sshll.u32 s1, $0xD;
	s1 =	sshrl.u32 s1, $0x2  }
0xb9: {  	s3 =	sand.u32 $0x4000, s31;
	s1 =	sadd.s32 s1, s30  }
0xba: {  	s0 =	sor.u32 s3, s0;
	s1 =	sshll.u32 s1, $0x11  }
0xbb: {  	s0 =	sor.u32 s1, s0  }
0xbc: {  	s0 =	sadd.s32 $0x8F2B, s0  }
0xbd: {  	[sflag:s0] =	ssyncadd.remote.s32 $0x1  }
0xbe: {  	_ =	sfence.sel $0xFFFF  }
0xbf: {  	[dreg:$0x0] =	wrdreg $0xFFFFFFFF;
	(pc) =	sbr.abs _section_cstart, $3  }
0xc0: {  	[dreg:$0x1] =	wrdreg $0xFFFFFFFF  }
0xc1: {  	_ =	task.clear_ibuf [dreg:s6], $0x2FFFF;
	_ =	strace $0x9FFFFFFF  }
0xc2: {  	(tm) =	ssettm $0x7FFFFFFF  }
0xc3: {  	_ =	shalt  }
tec
execute0_lowered:
.L_overlay_start_1:
0x0: {  	(tag) =	ssettag $0x1  }
0x1: {  	s6 =	rddreg [dreg:$0x0]  }
0x2: {  	s1 =	rddreg [dreg:$0x1]  }
0x3: {  	s2 =	srdreg.scid;
	s0 =	rddreg [dreg:$0x2]  }
0x4: {  	s3 =	simm.s32 $0x0;
	s15 =	simm.s32 $0x8000;
	s5 =	sand.u32 $0x1, s2  }
0x5: {  	s16 =	simm.s32 $0x0;
	s2 =	stileid.u32;
	s14 =	smul.u32 $0x2710, s5  }
0x6: {  	[smem:$0x7FF] =	sst s3;
	s4 =	sadd.s32 $0x12C00, s6;
	s7 =	smul.u32 $0x3E8, s2  }
0x7: {  	_ =	strace $0x80000047;
	s8 =	sshll.u32 s2, $0xB;
	s9 =	ssub.s32 $0x2, s5  }
0x8: {  	s11 =	smul.u32 $0x7D000, s2;
	s5 =	sadd.s32 $0x60E00, s6;
	p0 =	sgt.u32 s2, $0x9  }
0x9: {  	s8 =	sadd.s32 s8, s6;
	s10 =	sshrl.u32 s9, $0x1;
	s7 =	sadd.s32 s7, s14  }
0xa: {  	s9 =	ssub.s32 s9, s10;
	s31 =	sshrl.u32 s11, $0x2;
	s10 =	simm.s32 $0x1  }
0xb: {  	s11 =	simm.s32 $0x4000;
	v0 =	vmov s14;
	s14 =	simm.s32 $0x50;
	s7 =	sshll.u32 s7, $0x4  }
0xc: {  	s13 =	sadd.s32 s31, s1;
	s12 =	sadd.s32 s7, s6;
	s6 =	sadd.s32 $0xAC00, s8  }
0xd: {  	s7 =	sadd.s32 $0x2C00, s8;
	s8 =	sadd.s32 $0x64E00, s12;
	s12 =	sshll.u32 @!p0 s2, $0x6  }
0xe: {  	s9 =	smax.u32 s9, $0x1;
	s13 =	sshrl.u32 @!p0 s13, $0x3;
	s12 =	sor.u32 @!p0 $0x1C01, s12  }
.LBB2_1:
0xf: {  	[tilespmem:s3], [sflag:$0x1] =	stream.linear.gather [hbm4b:s6+s3], $0x3E80, $0x38;
	[tilespmem:$0x1E080] =	vst v63  }
0x10: {  	_ =	swait.ge [sflag:s10], $0x3E80  }
0x11: {  	[sflag:s10] =	ssyncset.done $0x0  }
0x12: {  	[sflag:s10] =	ssyncadd.s32 $0xFFFFC180  }
0x13: {  	[tilespmem:s11], [sflag:$0x1] =	stream.linear.gather [hbm4b:s7+s3], $0x3E80, $0x38;
	[tilespmem:$0x1E080] =	vst v63  }
0x14: {  	_ =	swait.ge [sflag:s10], $0x3E80  }
0x15: {  	[sflag:s10] =	ssyncset.done $0x0  }
0x16: {  	s17 =	simm.s32 @!p0 $0x1;
	[sflag:s10] =	ssyncadd.s32 $0xFFFFC180  }
0x17: {  	[spmem:s13], [sflag:s12] =	dma.local @!p0 [hbm:s5], $0x3E80  }
0x18: {  	_ =	swait.ge @!p0 [sflag:s17], $0x3E80  }
0x19: {  	[sflag:s17] =	ssyncset.done @!p0 $0x0  }
0x1a: {  	[sflag:s17] =	ssyncadd.s32 @!p0 $0xFFFFC180;
	s17 =	simm.s32 $0x0  }
0x1b: {  	v4 =	vld [tilespmem:s17+$0x0]  }
0x1c: {  	v3 =	vld [tilespmem:s17+$0x10]  }
0x1d: {  	v2 =	vld [tilespmem:s17+$0x20]  }
0x1e: {  	s18 =	simm.s32 $0x200;
	v1 =	vld [tilespmem:s17+$0x30]  }
.LBB2_2:
0x1f: {  	p1 =	sne.s32 s18, $0xF800;
	v5 =	vld [tilespmem:s17+$0x40]  }
0x20: {  	v4 =	vadd.s32 v0, v4  }
.Ltmp0:
0x21: {  	s19 =	sshra.s32 s18, $0x2;
	[tilespmem:s17+$0x0] =	vst v4;
	v3 =	vadd.s32 v0, v3;
	(pc) =	sbr.rel @p1 .LBB2_2-.Ltmp0, $4  }
0x22: {  	v4 =	vld [tilespmem:s19+$0x0];
	[tilespmem:s17+$0x10] =	vst v3;
	v2 =	vadd.s32 v0, v2  }
0x23: {  	v3 =	vld [tilespmem:s19+$0x10];
	[tilespmem:s17+$0x20] =	vst v2;
	v1 =	vadd.s32 v0, v1  }
0x24: {  	v2 =	vld [tilespmem:s19+$0x20];
	[tilespmem:s17+$0x30] =	vst v1;
	v5 =	vadd.s32 v0, v5  }
0x25: {  	s18 =	sadd.s32 $0x200, s18;
	v1 =	vld [tilespmem:s19+$0x30];
	[tilespmem:s17+$0x40] =	vst v5;
	s17 =	smov.u32 s19  }
0x26: {  	v5 =	vld [tilespmem:s17+$0x40]  }
0x27: {  	v4 =	vadd.s32 v0, v4  }
0x28: {  	[tilespmem:s17+$0x0] =	vst v4;
	v3 =	vadd.s32 v0, v3  }
0x29: {  	[tilespmem:s17+$0x10] =	vst v3;
	v2 =	vadd.s32 v0, v2  }
0x2a: {  	[tilespmem:s17+$0x20] =	vst v2;
	v1 =	vadd.s32 v0, v1  }
0x2b: {  	[tilespmem:s17+$0x30] =	vst v1;
	v1 =	vadd.s32 v0, v5  }
0x2c: {  	[tilespmem:s17+$0x40] =	vst v1  }
0x2d: {  	s30 =	simm.s32 $0x0;
	[bflag:$0x0] =	sbarrier.arrive $0xFFFF  }
0x2e: {  	[tilespmem:s15], [sflag:$0x1] =	stream.indirect.gather [hbm4b:s4+s14], $0x80, s30, s14, $0xb8;
	[tilespmem:$0x1E080] =	vst v63  }
0x2f: {  	_ =	swait.ge [sflag:s10], $0x2800  }
0x30: {  	[sflag:s10] =	ssyncset.done $0x0  }
0x31: {  	s31 =	simm.s32 $0x4000;
	[sflag:s10] =	ssyncadd.s32 $0xFFFFD800  }
0x32: {  	[spmem:s1] =	stream.indirect.scatter.add.f32 [tilespmem:s15], [sflag:$0x1], $0x80, s31, s14, $0xb8;
	[tilespmem:$0x1E080] =	vst v63  }
0x33: {  	_ =	swait.ge [sflag:s10], $0x2800  }
0x34: {  	s18 =	simm.s32 $0x400;
	s17 =	simm.s32 $0x200;
	[sflag:s10] =	ssyncset.done $0x0  }
.LBB2_4:
0x35: {  	s19 =	sshra.s32 s17, $0x2  }
0x36: {  	[sflag:s10] =	ssyncadd.s32 $0xFFFFD800;
	s17 =	smov.u32 s18;
	s20 =	sadd.s32 $0x200, s18  }
0x37: {  	[tilespmem:s15], [sflag:$0x1] =	stream.indirect.gather [hbm4b:s4+s14], $0x80, s19, s14, $0xb8;
	[tilespmem:$0x1E080] =	vst v63  }
0x38: {  	p1 =	sne.s32 s18, $0xF800;
	_ =	swait.ge [sflag:s10], $0x2800  }
.Ltmp1:
0x39: {  	[sflag:s10] =	ssyncset.done $0x0;
	(pc) =	sbr.rel @p1 .LBB2_4-.Ltmp1, $4  }
0x3a: {  	s18 =	sadd.s32 $0x4000, s19;
	[sflag:s10] =	ssyncadd.s32 $0xFFFFD800  }
0x3b: {  	[spmem:s1] =	stream.indirect.scatter.add.f32 [tilespmem:s15], [sflag:$0x1], $0x80, s18, s14, $0xb8;
	[tilespmem:$0x1E080] =	vst v63  }
0x3c: {  	_ =	swait.ge [sflag:s10], $0x2800  }
0x3d: {  	s18 =	smov.u32 s20;
	[sflag:s10] =	ssyncset.done $0x0  }
0x3e: {  	s17 =	sshra.s32 s17, $0x2;
	[sflag:s10] =	ssyncadd.s32 $0xFFFFD800  }
0x3f: {  	[tilespmem:s15], [sflag:$0x1] =	stream.indirect.gather [hbm4b:s4+s14], $0x80, s17, s14, $0xb8;
	[tilespmem:$0x1E080] =	vst v63  }
0x40: {  	_ =	swait.ge [sflag:s10], $0x2800  }
0x41: {  	[sflag:s10] =	ssyncset.done $0x0  }
0x42: {  	s17 =	sadd.s32 $0x4000, s17;
	[sflag:s10] =	ssyncadd.s32 $0xFFFFD800  }
0x43: {  	[spmem:s1] =	stream.indirect.scatter.add.f32 [tilespmem:s15], [sflag:$0x1], $0x80, s17, s14, $0xb8;
	[tilespmem:$0x1E080] =	vst v63  }
0x44: {  	_ =	swait.ge [sflag:s10], $0x2800  }
0x45: {  	s16 =	sadd.s32 $0x1, s16;
	[sflag:s10] =	ssyncset.done $0x0  }
0x46: {  	p1 =	sne.s32 s16, s9;
	[sflag:s10] =	ssyncadd.s32 $0xFFFFD800  }
.Ltmp2:
0x47: {  	s17 =	simm.s32 @!p0 $0x1;
	[bflag:$0x0] =	sbarrier.arrive $0xFFFF;
	(pc) =	sbr.rel @p1 .LBB2_1-.Ltmp2, $4  }
0x48: {  	[hbm:s8], [sflag:s12] =	dma.local @!p0 [spmem:s13], $0x3E80  }
0x49: {  	_ =	swait.ge @!p0 [sflag:s17], $0x3E80  }
0x4a: {  	[sflag:s17] =	ssyncset.done @!p0 $0x0  }
0x4b: {  	[sflag:s17] =	ssyncadd.s32 @!p0 $0xFFFFC180  }
0x4c: {  	_ =	sfence.sel $0x180000  }
0x4d: {  	[bflag:$0x0] =	sbarrier.arrive $0xFFFF  }
0x4e: {  	p0 =	sne.s32 s2, $0x0;
	_ =	strace $0x90000047  }
0x4f: {  	s0 =	sadd.s32 @!p0 $0x100000, s0;
	[bflag:$0x2] =	sbarrier.arrive $0xFFFF  }
0x50: {  	[sflag:s0] =	ssyncadd.tile.s32 @!p0 $0x1;
	_ =	shalt  }
.Lfunc_end2:
_tile_overlayer_lowered:
.L_overlay_start_2:
0x51: {  	(tag) =	ssettag $0x2  }
0x52: {  	s0 =	rddreg [dreg:$0x0];
	s2 =	stileid.u32  }
0x53: {  	s1 =	rddreg [dreg:$0x1];
	p0 =	sne.s32 s2, $0x0  }
0x54: {  	s3 =	rddreg [dreg:$0x2];
	[bflag:$0x3] =	sbarrier.arrive $0xFFFF;
	s2 =	simm.s32 @!p0 $0x1C01  }
0x55: {  	[timem:s3], [sflag:s2] =	dma.local @!p0 [hbm:s0], s1  }
0x56: {  	s0 =	simm.s32 @!p0 $0x1  }
0x57: {  	_ =	swait.ge @!p0 [sflag:s0], s1  }
0x58: {  	s1 =	ssub.s32 @!p0 $0x0, s1;
	[sflag:s0] =	ssyncset.done @!p0 $0x0  }
0x59: {  	[sflag:s0] =	ssyncadd.s32 @!p0 s1  }
0x5a: {  	[bflag:$0x3] =	sbarrier.arrive $0xFFFF  }
0x5b: {  	_ =	shalt  }

// kernel: kernel.15.cloned.1.call-start
scs
__scs_entry_jumppad:
0x0: {  	(pc) =	sbr.rel $0x88, $3  }
0x1: {  	(tag) =	ssettag $0x0;
	lr =	simm.s32 $0x1  }
0x2: {  	[smem:$0x3F92] =	sst lr;
	_ =	strace $0xD0000000  }
0x3: {  	_ = 	snop  }
0x4: {  	_ = 	snop  }
0x5: {  	_ = 	snop  }
0x6: {  	_ = 	snop  }
0x7: {  	_ = 	snop  }
__scs_overlays_trampoline_lowered:
0x8: {  	[smem:$0x3FA1] =	sst s0  }
0x9: {  	[smem:$0x3FA2] =	sst s1  }
0xa: {  	[smem:$0x3FA3] =	sst s2  }
0xb: {  	[smem:$0x3FA4] =	sst s3  }
0xc: {  	[smem:$0x3FA5] =	sst s4  }
0xd: {  	[smem:$0x3FA6] =	sst s5  }
0xe: {  	[smem:$0x3FA7] =	sst s6  }
0xf: {  	[smem:$0x3FA8] =	sst s7  }
0x10: {  	[smem:$0x3FA9] =	sst s8  }
0x11: {  	[smem:$0x3FAA] =	sst s9;
	s0 =	simm.s32 @!p0 $0x0  }
0x12: {  	s1 =	sld [smem:$0x3F90];
	s0 =	simm.s32 @p0 $0x1  }
0x13: {  	[smem:$0x3FAB] =	sst s0;
	s0 =	simm.s32 @!p1 $0x0  }
0x14: {  	s2 =	sld [smem:$0x3F8F];
	s0 =	simm.s32 @p1 $0x1  }
0x15: {  	[smem:$0x3FAC] =	sst s0;
	s0 =	simm.s32 @!p2 $0x0  }
0x16: {  	s3 =	sld [smem:$0x3FDB];
	s0 =	simm.s32 @p2 $0x1  }
0x17: {  	s4 =	simm.s32 $0x1BF5;
	[smem:$0x3FAE] =	sst s0  }
0x18: {  	s0 =	sld [smem:$0x3F91];
	_ =	swait.ge [sflag:s4], $0x0  }
0x19: {  	s7 =	sld [smem:$0x3F92]  }
0x1a: {  	s8 =	sadd.s32 $0xFFFFE003, lr  }
0x1b: {  	s9 =	sadd.s32 $0xFFFFFEF7, lr;
	s5 =	simm.s32 $0xFFFFFFFF;
	p2 =	slt.u32 s8, $0xFFFFF086  }
0x1c: {  	p1 =	slt.u32 s9, $0xF7A;
	s5 =	simm.s32 @!p2 $0x0  }
0x1d: {  	s5 =	simm.s32 @p1 $0x1;
	p0 =	seq.s32 s7, s2  }
0x1e: {  	s7 =	smul.u32 @!p0 $0xF7A, s2;
	p2 =	seq.s32 @!p0 s5, $0x0  }
0x1f: {  	s9 =	smul.u32 $0xF7A, s1;
	s8 =	simm.s32 @!p0 $0x1BF5;
	p2 =	por !p2, p0  }
0x20: {  	[sflag:s8] =	ssyncset.s32 @!p0 $0xFFFFF086;
	s6 =	sadd.s32 @!p0 s3, s7;
	s7 =	simm.s32 @!p0 $0x108  }
0x21: {  	s3 =	sadd.s32 s3, s9;
	s6 =	sadd.s32 @!p0 $0x88, s6;
	s7 =	simm.s32 @p2 $0x1082  }
0x22: {  	[simem:s7], [sflag:s8] =	dma.local @!p0 [hbm:s6], $0xF7A  }
0x23: {  	s9 =	sor.u32 $0xD0000000, s2;
	s6 =	simm.s32 $0x108;
	_ =	swait.ge @!p0 [sflag:s8], $0x0  }
0x24: {  	s3 =	sadd.s32 $0x88, s3;
	s6 =	simm.s32 @!p1 $0x1082;
	[sflag:s4] =	ssyncset.s32 $0xFFFFF086  }
0x25: {  	[simem:s6], [sflag:s4] =	dma.local [hbm:s3], $0xF7A  }
0x26: {  	[smem:$0x3F92] =	sst s1;
	(tag) =	ssettag s2;
	_ =	strace s9  }
0x27: {  	s1 =	sld [smem:$0x3FA2]  }
0x28: {  	s2 =	sld [smem:$0x3FA3]  }
0x29: {  	s4 =	sld [smem:$0x3FA5]  }
0x2a: {  	p0 =	seq.s32 s5, $0x0;
	s5 =	sld [smem:$0x3FA6]  }
0x2b: {  	s6 =	sld [smem:$0x3FA7]  }
0x2c: {  	s7 =	sld [smem:$0x3FA8]  }
0x2d: {  	s3 =	simm.s32 $0x108;
	s8 =	sld [smem:$0x3FA9]  }
0x2e: {  	s3 =	simm.s32 @!p0 $0x1082;
	s9 =	sld [smem:$0x3FAA]  }
0x2f: {  	lr =	sadd.s32 s0, s3;
	s0 =	sld [smem:$0x3FA1]  }
0x30: {  	s3 =	sld [smem:$0x3FA4]  }
0x31: {  	[smem:$0x3FAD] =	sst s10  }
0x32: {  	s10 =	sld [smem:$0x3FAB];
	_ =	sdelay $0x3  }
0x33: {  	p0 =	seq.s32 s10, $0x1;
	s10 =	sld [smem:$0x3FAD];
	_ =	sdelay $0x3  }
0x34: {  	[smem:$0x3FAD] =	sst s10  }
0x35: {  	s10 =	sld [smem:$0x3FAC];
	_ =	sdelay $0x3  }
0x36: {  	p1 =	seq.s32 s10, $0x1;
	s10 =	sld [smem:$0x3FAD];
	_ =	sdelay $0x3  }
0x37: {  	[smem:$0x3FAD] =	sst s10  }
0x38: {  	s10 =	sld [smem:$0x3FAE]  }
0x39: {  	_ = 	snop;
	(pc) =	sbr.ind lr, $3  }
0x3a: {  	_ = 	snop  }
0x3b: {  	_ = 	snop  }
0x3c: {  	p2 =	seq.s32 s10, $0x1;
	s10 =	sld [smem:$0x3FAD]  }
0x3d: {  	_ =	shalt  }
0x3e: {  	_ =	shalt  }
0x3f: {  	_ =	shalt  }
0x40: {  	_ =	shalt  }
0x41: {  	_ =	shalt  }
0x42: {  	_ =	shalt  }
0x43: {  	_ =	shalt  }
0x44: {  	_ =	shalt  }
0x45: {  	_ =	shalt  }
0x46: {  	_ =	shalt  }
0x47: {  	_ =	shalt  }
0x48: {  	_ =	shalt  }
0x49: {  	_ =	shalt  }
0x4a: {  	_ =	shalt  }
0x4b: {  	_ =	shalt  }
0x4c: {  	_ =	shalt  }
0x4d: {  	_ =	shalt  }
0x4e: {  	_ =	shalt  }
0x4f: {  	_ =	shalt  }
0x50: {  	_ =	shalt  }
0x51: {  	_ =	shalt  }
0x52: {  	_ =	shalt  }
0x53: {  	_ =	shalt  }
0x54: {  	_ =	shalt  }
0x55: {  	_ =	shalt  }
0x56: {  	_ =	shalt  }
0x57: {  	_ =	shalt  }
0x58: {  	_ =	shalt  }
0x59: {  	_ =	shalt  }
0x5a: {  	_ =	shalt  }
0x5b: {  	_ =	shalt  }
0x5c: {  	_ =	shalt  }
0x5d: {  	_ =	shalt  }
0x5e: {  	_ =	shalt  }
0x5f: {  	_ =	shalt  }
0x60: {  	_ =	shalt  }
0x61: {  	_ =	shalt  }
0x62: {  	_ =	shalt  }
0x63: {  	_ =	shalt  }
0x64: {  	_ =	shalt  }
0x65: {  	_ =	shalt  }
0x66: {  	_ =	shalt  }
0x67: {  	_ =	shalt  }
0x68: {  	_ =	shalt  }
0x69: {  	_ =	shalt  }
0x6a: {  	_ =	shalt  }
0x6b: {  	_ =	shalt  }
0x6c: {  	_ =	shalt  }
0x6d: {  	_ =	shalt  }
0x6e: {  	_ =	shalt  }
0x6f: {  	_ =	shalt  }
0x70: {  	_ =	shalt  }
0x71: {  	_ =	shalt  }
0x72: {  	_ =	shalt  }
0x73: {  	_ =	shalt  }
0x74: {  	_ =	shalt  }
0x75: {  	_ =	shalt  }
0x76: {  	_ =	shalt  }
0x77: {  	_ =	shalt  }
0x78: {  	_ =	shalt  }
0x79: {  	_ =	shalt  }
0x7a: {  	_ =	shalt  }
0x7b: {  	_ =	shalt  }
0x7c: {  	_ =	shalt  }
0x7d: {  	_ =	shalt  }
0x7e: {  	_ =	shalt  }
0x7f: {  	_ =	shalt  }
0x80: {  	_ =	shalt  }
0x81: {  	_ =	shalt  }
0x82: {  	_ =	shalt  }
0x83: {  	_ =	shalt  }
0x84: {  	_ =	shalt  }
0x85: {  	_ =	shalt  }
0x86: {  	_ =	shalt  }
0x87: {  	_ =	shalt  }
.Lfunc_end0:
.L_simem_size_0:
called_computation.2_lowered:
.L_overlay_start_0:
0x88: {  	s2 =	sld [smem:$0x3FD9]  }
0x89: {  	s3 =	sld [smem:$0x3FFE];
	_ =	sdelay $0x1  }
0x8a: {  	s1 =	srdreg.scid  }
0x8b: {  	s0 =	sand.u32 $0x1, s1  }
0x8c: {  	s16 =	sshll.u32 s0, $0xA;
	s2 =	sadd.s32 s3, s2  }
0x8d: {  	s2 =	sadd.s32 s2, s16  }
0x8e: {  	[smem:$0x3FB9] =	sst s2  }
0x8f: {  	_ = 	snop  }
0x90: {  	(tm) =	ssettm $0x1  }
0x91: {  	s17 =	sld [smem:$0x3FFB];
	_ =	sdelay $0x3  }
0x92: {  	_ =	strace s17  }
0x93: {  	s2 =	sld [smem:$0x3FFC];
	_ =	sdelay $0x3  }
0x94: {  	_ =	strace s2  }
0x95: {  	s2 =	sld [smem:$0x3FFD];
	_ =	sdelay $0x3  }
0x96: {  	_ =	strace s2  }
0x97: {  	_ =	strace $0x8FFFFFFF  }
0x98: {  	s18 =	sld [smem:$0x3FDB];
	_ =	sdelay $0x1  }
0x99: {  	s19 =	simm.s32 $_scs_section_size  }
0x9a: {  	s4 =	simm.s32 $_size__tile_overlayer_lowered;
	s5 =	simm.s32 $_tile_overlayer_lowered  }
0x9b: {  	s22 =	simm.s32 $0x1BFF;
	s21 =	sshll.u32 s5, $0x1;
	s2 =	sadd.s32 s19, s18  }
0x9c: {  	s6 =	simm.s32 $0x0;
	s20 =	sshll.u32 s4, $0x1;
	s4 =	sadd.s32 s21, s2  }
0x9d: {  	[timem:s6], [sflag:s22] =	dma.local [hbm:s4], s20  }
0x9e: {  	_ =	swait.ge [sflag:s22], s20  }
0x9f: {  	s3 =	ssub.s32 $0x0, s20;
	[sflag:s22] =	ssyncset.done $0x0  }
0xa0: {  	[sflag:s22] =	ssyncadd.s32 s3;
	_ =	sdelay $0x1  }
0xa1: {  	s23 =	simm.s32 $0x1B8B  }
0xa2: {  	_ =	swait.ge [sflag:s23], $0x1  }
0xa3: {  	[sflag:s23] =	ssyncset.done $0x0  }
0xa4: {  	s25 =	simm.s32 $0x1B8E;
	s24 =	sld [smem:$0x3FFE];
	[sflag:s23] =	ssyncadd.s32 $0xFFFFFFFF  }
0xa5: {  	s26 =	simm.s32 $execute0_lowered;
	[smem:$0x3FD2] =	sst s25  }
0xa6: {  	s4 =	sshll.u32 s26, $0x1;
	_ =	strace $0x8000004C;
	[dreg:$0x1] =	wrdreg $0xFFFFFFFF  }
0xa7: {  	s28 =	simm.s32 $_size_execute0_lowered;
	s2 =	sadd.s32 s2, s4;
	[dreg:$0x0] =	wrdreg $0x0  }
0xa8: {  	s4 =	sshll.u32 s28, $0x1;
	[dreg:$0x2] =	wrdreg s2  }
0xa9: {  	[dreg:$0x3] =	wrdreg s4  }
0xaa: {  	[dreg:$0x4] =	wrdreg $0xC0  }
0xab: {  	_ =	task [dreg:s6], $0x5FFFF  }
0xac: {  	[dreg:$0x1] =	wrdreg $0xFFFFFFFF  }
0xad: {  	[dreg:$0x0] =	wrdreg $0x60  }
0xae: {  	[dreg:$0x2] =	wrdreg s24  }
0xaf: {  	[dreg:$0x3] =	wrdreg $0xA8000  }
0xb0: {  	[dreg:$0x4] =	wrdreg $0x9  }
0xb1: {  	_ =	task.clear_ibuf [dreg:s6], $0x5FFFF;
	_ =	strace $0x9000004C  }
0xb2: {  	s29 =	simm.s32 $0x9;
	_ =	strace $0x8000004E  }
0xb3: {  	_ =	swait.ge [sflag:s29], $0x1  }
0xb4: {  	[sflag:s29] =	ssyncadd.s32 $0xFFFFFFFF  }
0xb5: {  	_ =	strace $0x9000004E  }
0xb6: {  	_ =	sfence  }
0xb7: {  	s30 =	sld [smem:$0x0];
	_ =	sdelay $0x2  }
0xb8: {  	s31 =	sshll.u32 s1, $0xD;
	s1 =	sshrl.u32 s1, $0x2  }
0xb9: {  	s3 =	sand.u32 $0x4000, s31;
	s1 =	sadd.s32 s1, s30  }
0xba: {  	s0 =	sor.u32 s3, s0;
	s1 =	sshll.u32 s1, $0x11  }
0xbb: {  	s0 =	sor.u32 s1, s0  }
0xbc: {  	s0 =	sadd.s32 $0x8F2B, s0  }
0xbd: {  	[sflag:s0] =	ssyncadd.remote.s32 $0x1  }
0xbe: {  	_ =	sfence.sel $0xFFFF  }
0xbf: {  	[dreg:$0x0] =	wrdreg $0xFFFFFFFF;
	(pc) =	sbr.abs _section_cstart, $3  }
0xc0: {  	[dreg:$0x1] =	wrdreg $0xFFFFFFFF  }
0xc1: {  	_ =	task.clear_ibuf [dreg:s6], $0x2FFFF;
	_ =	strace $0x9FFFFFFF  }
0xc2: {  	(tm) =	ssettm $0x7FFFFFFF  }
0xc3: {  	_ =	shalt  }
tec
execute0_lowered:
.L_overlay_start_1:
0x0: {  	(tag) =	ssettag $0x1  }
0x1: {  	s6 =	rddreg [dreg:$0x0]  }
0x2: {  	s1 =	rddreg [dreg:$0x1]  }
0x3: {  	s2 =	srdreg.scid;
	s0 =	rddreg [dreg:$0x2]  }
0x4: {  	s3 =	simm.s32 $0x0;
	s15 =	simm.s32 $0x8000;
	s5 =	sand.u32 $0x1, s2  }
0x5: {  	s16 =	simm.s32 $0x0;
	s2 =	stileid.u32;
	s14 =	smul.u32 $0x2710, s5  }
0x6: {  	[smem:$0x7FF] =	sst s3;
	s4 =	sadd.s32 $0x12C00, s6;
	s7 =	smul.u32 $0x3E8, s2  }
0x7: {  	_ =	strace $0x8000004D;
	s8 =	sshll.u32 s2, $0xB;
	s9 =	ssub.s32 $0x2, s5  }
0x8: {  	s11 =	smul.u32 $0x7D000, s2;
	s5 =	sadd.s32 $0x60E00, s6;
	p0 =	sgt.u32 s2, $0x9  }
0x9: {  	s8 =	sadd.s32 s8, s6;
	s10 =	sshrl.u32 s9, $0x1;
	s7 =	sadd.s32 s7, s14  }
0xa: {  	s9 =	ssub.s32 s9, s10;
	s31 =	sshrl.u32 s11, $0x2;
	s10 =	simm.s32 $0x1  }
0xb: {  	s11 =	simm.s32 $0x4000;
	v0 =	vmov s14;
	s14 =	simm.s32 $0x50;
	s7 =	sshll.u32 s7, $0x4  }
0xc: {  	s13 =	sadd.s32 s31, s1;
	s12 =	sadd.s32 s7, s6;
	s6 =	sadd.s32 $0xAC00, s8  }
0xd: {  	s7 =	sadd.s32 $0x2C00, s8;
	s8 =	sadd.s32 $0x64E00, s12;
	s12 =	sshll.u32 @!p0 s2, $0x6  }
0xe: {  	s9 =	smax.u32 s9, $0x1;
	s13 =	sshrl.u32 @!p0 s13, $0x3;
	s12 =	sor.u32 @!p0 $0x1C01, s12  }
.LBB2_1:
0xf: {  	[tilespmem:s3], [sflag:$0x1] =	stream.linear.gather [hbm4b:s6+s3], $0x3E80, $0x38;
	[tilespmem:$0x1E080] =	vst v63  }
0x10: {  	_ =	swait.ge [sflag:s10], $0x3E80  }
0x11: {  	[sflag:s10] =	ssyncset.done $0x0  }
0x12: {  	[sflag:s10] =	ssyncadd.s32 $0xFFFFC180  }
0x13: {  	[tilespmem:s11], [sflag:$0x1] =	stream.linear.gather [hbm4b:s7+s3], $0x3E80, $0x38;
	[tilespmem:$0x1E080] =	vst v63  }
0x14: {  	_ =	swait.ge [sflag:s10], $0x3E80  }
0x15: {  	[sflag:s10] =	ssyncset.done $0x0  }
0x16: {  	s17 =	simm.s32 @!p0 $0x1;
	[sflag:s10] =	ssyncadd.s32 $0xFFFFC180  }
0x17: {  	[spmem:s13], [sflag:s12] =	dma.local @!p0 [hbm:s5], $0x3E80  }
0x18: {  	_ =	swait.ge @!p0 [sflag:s17], $0x3E80  }
0x19: {  	[sflag:s17] =	ssyncset.done @!p0 $0x0  }
0x1a: {  	[sflag:s17] =	ssyncadd.s32 @!p0 $0xFFFFC180;
	s17 =	simm.s32 $0x0  }
0x1b: {  	v4 =	vld [tilespmem:s17+$0x0]  }
0x1c: {  	v3 =	vld [tilespmem:s17+$0x10]  }
0x1d: {  	v2 =	vld [tilespmem:s17+$0x20]  }
0x1e: {  	s18 =	simm.s32 $0x200;
	v1 =	vld [tilespmem:s17+$0x30]  }
.LBB2_2:
0x1f: {  	p1 =	sne.s32 s18, $0xF800;
	v5 =	vld [tilespmem:s17+$0x40]  }
0x20: {  	v4 =	vadd.s32 v0, v4  }
.Ltmp0:
0x21: {  	s19 =	sshra.s32 s18, $0x2;
	[tilespmem:s17+$0x0] =	vst v4;
	v3 =	vadd.s32 v0, v3;
	(pc) =	sbr.rel @p1 .LBB2_2-.Ltmp0, $4  }
0x22: {  	v4 =	vld [tilespmem:s19+$0x0];
	[tilespmem:s17+$0x10] =	vst v3;
	v2 =	vadd.s32 v0, v2  }
0x23: {  	v3 =	vld [tilespmem:s19+$0x10];
	[tilespmem:s17+$0x20] =	vst v2;
	v1 =	vadd.s32 v0, v1  }
0x24: {  	v2 =	vld [tilespmem:s19+$0x20];
	[tilespmem:s17+$0x30] =	vst v1;
	v5 =	vadd.s32 v0, v5  }
0x25: {  	s18 =	sadd.s32 $0x200, s18;
	v1 =	vld [tilespmem:s19+$0x30];
	[tilespmem:s17+$0x40] =	vst v5;
	s17 =	smov.u32 s19  }
0x26: {  	v5 =	vld [tilespmem:s17+$0x40]  }
0x27: {  	v4 =	vadd.s32 v0, v4  }
0x28: {  	[tilespmem:s17+$0x0] =	vst v4;
	v3 =	vadd.s32 v0, v3  }
0x29: {  	[tilespmem:s17+$0x10] =	vst v3;
	v2 =	vadd.s32 v0, v2  }
0x2a: {  	[tilespmem:s17+$0x20] =	vst v2;
	v1 =	vadd.s32 v0, v1  }
0x2b: {  	[tilespmem:s17+$0x30] =	vst v1;
	v1 =	vadd.s32 v0, v5  }
0x2c: {  	[tilespmem:s17+$0x40] =	vst v1  }
0x2d: {  	s30 =	simm.s32 $0x0;
	[bflag:$0x0] =	sbarrier.arrive $0xFFFF  }
0x2e: {  	[tilespmem:s15], [sflag:$0x1] =	stream.indirect.gather [hbm4b:s4+s14], $0x80, s30, s14, $0xb8;
	[tilespmem:$0x1E080] =	vst v63  }
0x2f: {  	_ =	swait.ge [sflag:s10], $0x2800  }
0x30: {  	[sflag:s10] =	ssyncset.done $0x0  }
0x31: {  	s31 =	simm.s32 $0x4000;
	[sflag:s10] =	ssyncadd.s32 $0xFFFFD800  }
0x32: {  	[spmem:s1] =	stream.indirect.scatter.add.f32 [tilespmem:s15], [sflag:$0x1], $0x80, s31, s14, $0xb8;
	[tilespmem:$0x1E080] =	vst v63  }
0x33: {  	_ =	swait.ge [sflag:s10], $0x2800  }
0x34: {  	s18 =	simm.s32 $0x400;
	s17 =	simm.s32 $0x200;
	[sflag:s10] =	ssyncset.done $0x0  }
.LBB2_4:
0x35: {  	s19 =	sshra.s32 s17, $0x2  }
0x36: {  	[sflag:s10] =	ssyncadd.s32 $0xFFFFD800;
	s17 =	smov.u32 s18;
	s20 =	sadd.s32 $0x200, s18  }
0x37: {  	[tilespmem:s15], [sflag:$0x1] =	stream.indirect.gather [hbm4b:s4+s14], $0x80, s19, s14, $0xb8;
	[tilespmem:$0x1E080] =	vst v63  }
0x38: {  	p1 =	sne.s32 s18, $0xF800;
	_ =	swait.ge [sflag:s10], $0x2800  }
.Ltmp1:
0x39: {  	[sflag:s10] =	ssyncset.done $0x0;
	(pc) =	sbr.rel @p1 .LBB2_4-.Ltmp1, $4  }
0x3a: {  	s18 =	sadd.s32 $0x4000, s19;
	[sflag:s10] =	ssyncadd.s32 $0xFFFFD800  }
0x3b: {  	[spmem:s1] =	stream.indirect.scatter.add.f32 [tilespmem:s15], [sflag:$0x1], $0x80, s18, s14, $0xb8;
	[tilespmem:$0x1E080] =	vst v63  }
0x3c: {  	_ =	swait.ge [sflag:s10], $0x2800  }
0x3d: {  	s18 =	smov.u32 s20;
	[sflag:s10] =	ssyncset.done $0x0  }
0x3e: {  	s17 =	sshra.s32 s17, $0x2;
	[sflag:s10] =	ssyncadd.s32 $0xFFFFD800  }
0x3f: {  	[tilespmem:s15], [sflag:$0x1] =	stream.indirect.gather [hbm4b:s4+s14], $0x80, s17, s14, $0xb8;
	[tilespmem:$0x1E080] =	vst v63  }
0x40: {  	_ =	swait.ge [sflag:s10], $0x2800  }
0x41: {  	[sflag:s10] =	ssyncset.done $0x0  }
0x42: {  	s17 =	sadd.s32 $0x4000, s17;
	[sflag:s10] =	ssyncadd.s32 $0xFFFFD800  }
0x43: {  	[spmem:s1] =	stream.indirect.scatter.add.f32 [tilespmem:s15], [sflag:$0x1], $0x80, s17, s14, $0xb8;
	[tilespmem:$0x1E080] =	vst v63  }
0x44: {  	_ =	swait.ge [sflag:s10], $0x2800  }
0x45: {  	s16 =	sadd.s32 $0x1, s16;
	[sflag:s10] =	ssyncset.done $0x0  }
0x46: {  	p1 =	sne.s32 s16, s9;
	[sflag:s10] =	ssyncadd.s32 $0xFFFFD800  }
.Ltmp2:
0x47: {  	s17 =	simm.s32 @!p0 $0x1;
	[bflag:$0x0] =	sbarrier.arrive $0xFFFF;
	(pc) =	sbr.rel @p1 .LBB2_1-.Ltmp2, $4  }
0x48: {  	[hbm:s8], [sflag:s12] =	dma.local @!p0 [spmem:s13], $0x3E80  }
0x49: {  	_ =	swait.ge @!p0 [sflag:s17], $0x3E80  }
0x4a: {  	[sflag:s17] =	ssyncset.done @!p0 $0x0  }
0x4b: {  	[sflag:s17] =	ssyncadd.s32 @!p0 $0xFFFFC180  }
0x4c: {  	_ =	sfence.sel $0x180000  }
0x4d: {  	[bflag:$0x0] =	sbarrier.arrive $0xFFFF  }
0x4e: {  	p0 =	sne.s32 s2, $0x0;
	_ =	strace $0x9000004D  }
0x4f: {  	s0 =	sadd.s32 @!p0 $0x100000, s0;
	[bflag:$0x2] =	sbarrier.arrive $0xFFFF  }
0x50: {  	[sflag:s0] =	ssyncadd.tile.s32 @!p0 $0x1;
	_ =	shalt  }
.Lfunc_end2:
_tile_overlayer_lowered:
.L_overlay_start_2:
0x51: {  	(tag) =	ssettag $0x2  }
0x52: {  	s0 =	rddreg [dreg:$0x0];
	s2 =	stileid.u32  }
0x53: {  	s1 =	rddreg [dreg:$0x1];
	p0 =	sne.s32 s2, $0x0  }
0x54: {  	s3 =	rddreg [dreg:$0x2];
	[bflag:$0x3] =	sbarrier.arrive $0xFFFF;
	s2 =	simm.s32 @!p0 $0x1C01  }
0x55: {  	[timem:s3], [sflag:s2] =	dma.local @!p0 [hbm:s0], s1  }
0x56: {  	s0 =	simm.s32 @!p0 $0x1  }
0x57: {  	_ =	swait.ge @!p0 [sflag:s0], s1  }
0x58: {  	s1 =	ssub.s32 @!p0 $0x0, s1;
	[sflag:s0] =	ssyncset.done @!p0 $0x0  }
0x59: {  	[sflag:s0] =	ssyncadd.s32 @!p0 s1  }
0x5a: {  	[bflag:$0x3] =	sbarrier.arrive $0xFFFF  }
0x5b: {  	_ =	shalt  }

// kernel: kernel.18.cloned.1.call-start
scs
__scs_entry_jumppad:
0x0: {  	(pc) =	sbr.rel $0x88, $3  }
0x1: {  	(tag) =	ssettag $0x0;
	lr =	simm.s32 $0x1  }
0x2: {  	[smem:$0x3F92] =	sst lr;
	_ =	strace $0xD0000000  }
0x3: {  	_ = 	snop  }
0x4: {  	_ = 	snop  }
0x5: {  	_ = 	snop  }
0x6: {  	_ = 	snop  }
0x7: {  	_ = 	snop  }
__scs_overlays_trampoline_lowered:
0x8: {  	[smem:$0x3FA1] =	sst s0  }
0x9: {  	[smem:$0x3FA2] =	sst s1  }
0xa: {  	[smem:$0x3FA3] =	sst s2  }
0xb: {  	[smem:$0x3FA4] =	sst s3  }
0xc: {  	[smem:$0x3FA5] =	sst s4  }
0xd: {  	[smem:$0x3FA6] =	sst s5  }
0xe: {  	[smem:$0x3FA7] =	sst s6  }
0xf: {  	[smem:$0x3FA8] =	sst s7  }
0x10: {  	[smem:$0x3FA9] =	sst s8  }
0x11: {  	[smem:$0x3FAA] =	sst s9;
	s0 =	simm.s32 @!p0 $0x0  }
0x12: {  	s1 =	sld [smem:$0x3F90];
	s0 =	simm.s32 @p0 $0x1  }
0x13: {  	[smem:$0x3FAB] =	sst s0;
	s0 =	simm.s32 @!p1 $0x0  }
0x14: {  	s2 =	sld [smem:$0x3F8F];
	s0 =	simm.s32 @p1 $0x1  }
0x15: {  	[smem:$0x3FAC] =	sst s0;
	s0 =	simm.s32 @!p2 $0x0  }
0x16: {  	s3 =	sld [smem:$0x3FDB];
	s0 =	simm.s32 @p2 $0x1  }
0x17: {  	s4 =	simm.s32 $0x1BF5;
	[smem:$0x3FAE] =	sst s0  }
0x18: {  	s0 =	sld [smem:$0x3F91];
	_ =	swait.ge [sflag:s4], $0x0  }
0x19: {  	s7 =	sld [smem:$0x3F92]  }
0x1a: {  	s8 =	sadd.s32 $0xFFFFE003, lr  }
0x1b: {  	s9 =	sadd.s32 $0xFFFFFEF7, lr;
	s5 =	simm.s32 $0xFFFFFFFF;
	p2 =	slt.u32 s8, $0xFFFFF086  }
0x1c: {  	p1 =	slt.u32 s9, $0xF7A;
	s5 =	simm.s32 @!p2 $0x0  }
0x1d: {  	s5 =	simm.s32 @p1 $0x1;
	p0 =	seq.s32 s7, s2  }
0x1e: {  	s7 =	smul.u32 @!p0 $0xF7A, s2;
	p2 =	seq.s32 @!p0 s5, $0x0  }
0x1f: {  	s9 =	smul.u32 $0xF7A, s1;
	s8 =	simm.s32 @!p0 $0x1BF5;
	p2 =	por !p2, p0  }
0x20: {  	[sflag:s8] =	ssyncset.s32 @!p0 $0xFFFFF086;
	s6 =	sadd.s32 @!p0 s3, s7;
	s7 =	simm.s32 @!p0 $0x108  }
0x21: {  	s3 =	sadd.s32 s3, s9;
	s6 =	sadd.s32 @!p0 $0x88, s6;
	s7 =	simm.s32 @p2 $0x1082  }
0x22: {  	[simem:s7], [sflag:s8] =	dma.local @!p0 [hbm:s6], $0xF7A  }
0x23: {  	s9 =	sor.u32 $0xD0000000, s2;
	s6 =	simm.s32 $0x108;
	_ =	swait.ge @!p0 [sflag:s8], $0x0  }
0x24: {  	s3 =	sadd.s32 $0x88, s3;
	s6 =	simm.s32 @!p1 $0x1082;
	[sflag:s4] =	ssyncset.s32 $0xFFFFF086  }
0x25: {  	[simem:s6], [sflag:s4] =	dma.local [hbm:s3], $0xF7A  }
0x26: {  	[smem:$0x3F92] =	sst s1;
	(tag) =	ssettag s2;
	_ =	strace s9  }
0x27: {  	s1 =	sld [smem:$0x3FA2]  }
0x28: {  	s2 =	sld [smem:$0x3FA3]  }
0x29: {  	s4 =	sld [smem:$0x3FA5]  }
0x2a: {  	p0 =	seq.s32 s5, $0x0;
	s5 =	sld [smem:$0x3FA6]  }
0x2b: {  	s6 =	sld [smem:$0x3FA7]  }
0x2c: {  	s7 =	sld [smem:$0x3FA8]  }
0x2d: {  	s3 =	simm.s32 $0x108;
	s8 =	sld [smem:$0x3FA9]  }
0x2e: {  	s3 =	simm.s32 @!p0 $0x1082;
	s9 =	sld [smem:$0x3FAA]  }
0x2f: {  	lr =	sadd.s32 s0, s3;
	s0 =	sld [smem:$0x3FA1]  }
0x30: {  	s3 =	sld [smem:$0x3FA4]  }
0x31: {  	[smem:$0x3FAD] =	sst s10  }
0x32: {  	s10 =	sld [smem:$0x3FAB];
	_ =	sdelay $0x3  }
0x33: {  	p0 =	seq.s32 s10, $0x1;
	s10 =	sld [smem:$0x3FAD];
	_ =	sdelay $0x3  }
0x34: {  	[smem:$0x3FAD] =	sst s10  }
0x35: {  	s10 =	sld [smem:$0x3FAC];
	_ =	sdelay $0x3  }
0x36: {  	p1 =	seq.s32 s10, $0x1;
	s10 =	sld [smem:$0x3FAD];
	_ =	sdelay $0x3  }
0x37: {  	[smem:$0x3FAD] =	sst s10  }
0x38: {  	s10 =	sld [smem:$0x3FAE]  }
0x39: {  	_ = 	snop;
	(pc) =	sbr.ind lr, $3  }
0x3a: {  	_ = 	snop  }
0x3b: {  	_ = 	snop  }
0x3c: {  	p2 =	seq.s32 s10, $0x1;
	s10 =	sld [smem:$0x3FAD]  }
0x3d: {  	_ =	shalt  }
0x3e: {  	_ =	shalt  }
0x3f: {  	_ =	shalt  }
0x40: {  	_ =	shalt  }
0x41: {  	_ =	shalt  }
0x42: {  	_ =	shalt  }
0x43: {  	_ =	shalt  }
0x44: {  	_ =	shalt  }
0x45: {  	_ =	shalt  }
0x46: {  	_ =	shalt  }
0x47: {  	_ =	shalt  }
0x48: {  	_ =	shalt  }
0x49: {  	_ =	shalt  }
0x4a: {  	_ =	shalt  }
0x4b: {  	_ =	shalt  }
0x4c: {  	_ =	shalt  }
0x4d: {  	_ =	shalt  }
0x4e: {  	_ =	shalt  }
0x4f: {  	_ =	shalt  }
0x50: {  	_ =	shalt  }
0x51: {  	_ =	shalt  }
0x52: {  	_ =	shalt  }
0x53: {  	_ =	shalt  }
0x54: {  	_ =	shalt  }
0x55: {  	_ =	shalt  }
0x56: {  	_ =	shalt  }
0x57: {  	_ =	shalt  }
0x58: {  	_ =	shalt  }
0x59: {  	_ =	shalt  }
0x5a: {  	_ =	shalt  }
0x5b: {  	_ =	shalt  }
0x5c: {  	_ =	shalt  }
0x5d: {  	_ =	shalt  }
0x5e: {  	_ =	shalt  }
0x5f: {  	_ =	shalt  }
0x60: {  	_ =	shalt  }
0x61: {  	_ =	shalt  }
0x62: {  	_ =	shalt  }
0x63: {  	_ =	shalt  }
0x64: {  	_ =	shalt  }
0x65: {  	_ =	shalt  }
0x66: {  	_ =	shalt  }
0x67: {  	_ =	shalt  }
0x68: {  	_ =	shalt  }
0x69: {  	_ =	shalt  }
0x6a: {  	_ =	shalt  }
0x6b: {  	_ =	shalt  }
0x6c: {  	_ =	shalt  }
0x6d: {  	_ =	shalt  }
0x6e: {  	_ =	shalt  }
0x6f: {  	_ =	shalt  }
0x70: {  	_ =	shalt  }
0x71: {  	_ =	shalt  }
0x72: {  	_ =	shalt  }
0x73: {  	_ =	shalt  }
0x74: {  	_ =	shalt  }
0x75: {  	_ =	shalt  }
0x76: {  	_ =	shalt  }
0x77: {  	_ =	shalt  }
0x78: {  	_ =	shalt  }
0x79: {  	_ =	shalt  }
0x7a: {  	_ =	shalt  }
0x7b: {  	_ =	shalt  }
0x7c: {  	_ =	shalt  }
0x7d: {  	_ =	shalt  }
0x7e: {  	_ =	shalt  }
0x7f: {  	_ =	shalt  }
0x80: {  	_ =	shalt  }
0x81: {  	_ =	shalt  }
0x82: {  	_ =	shalt  }
0x83: {  	_ =	shalt  }
0x84: {  	_ =	shalt  }
0x85: {  	_ =	shalt  }
0x86: {  	_ =	shalt  }
0x87: {  	_ =	shalt  }
.Lfunc_end0:
.L_simem_size_0:
called_computation.3_lowered:
.L_overlay_start_0:
0x88: {  	s2 =	sld [smem:$0x3FD9]  }
0x89: {  	s3 =	sld [smem:$0x3FFE];
	_ =	sdelay $0x1  }
0x8a: {  	s1 =	srdreg.scid  }
0x8b: {  	s0 =	sand.u32 $0x1, s1  }
0x8c: {  	s16 =	sshll.u32 s0, $0xA;
	s2 =	sadd.s32 s3, s2  }
0x8d: {  	s2 =	sadd.s32 s2, s16  }
0x8e: {  	[smem:$0x3FB9] =	sst s2  }
0x8f: {  	_ = 	snop  }
0x90: {  	(tm) =	ssettm $0x1  }
0x91: {  	s17 =	sld [smem:$0x3FFB];
	_ =	sdelay $0x3  }
0x92: {  	_ =	strace s17  }
0x93: {  	s2 =	sld [smem:$0x3FFC];
	_ =	sdelay $0x3  }
0x94: {  	_ =	strace s2  }
0x95: {  	s2 =	sld [smem:$0x3FFD];
	_ =	sdelay $0x3  }
0x96: {  	_ =	strace s2  }
0x97: {  	_ =	strace $0x8FFFFFFF  }
0x98: {  	s18 =	sld [smem:$0x3FDB];
	_ =	sdelay $0x1  }
0x99: {  	s19 =	simm.s32 $_scs_section_size  }
0x9a: {  	s4 =	simm.s32 $_size__tile_overlayer_lowered;
	s5 =	simm.s32 $_tile_overlayer_lowered  }
0x9b: {  	s22 =	simm.s32 $0x1BFF;
	s21 =	sshll.u32 s5, $0x1;
	s2 =	sadd.s32 s19, s18  }
0x9c: {  	s6 =	simm.s32 $0x0;
	s20 =	sshll.u32 s4, $0x1;
	s4 =	sadd.s32 s21, s2  }
0x9d: {  	[timem:s6], [sflag:s22] =	dma.local [hbm:s4], s20  }
0x9e: {  	_ =	swait.ge [sflag:s22], s20  }
0x9f: {  	s3 =	ssub.s32 $0x0, s20;
	[sflag:s22] =	ssyncset.done $0x0  }
0xa0: {  	[sflag:s22] =	ssyncadd.s32 s3;
	_ =	sdelay $0x1  }
0xa1: {  	s23 =	simm.s32 $0x1B8B  }
0xa2: {  	_ =	swait.ge [sflag:s23], $0x1  }
0xa3: {  	[sflag:s23] =	ssyncset.done $0x0  }
0xa4: {  	s25 =	simm.s32 $0x1B8E;
	s24 =	sld [smem:$0x3FFE];
	[sflag:s23] =	ssyncadd.s32 $0xFFFFFFFF  }
0xa5: {  	s26 =	simm.s32 $execute0_lowered;
	[smem:$0x3FD2] =	sst s25  }
0xa6: {  	s4 =	sshll.u32 s26, $0x1;
	_ =	strace $0x8000004F;
	[dreg:$0x1] =	wrdreg $0xFFFFFFFF  }
0xa7: {  	s28 =	simm.s32 $_size_execute0_lowered;
	s2 =	sadd.s32 s2, s4;
	[dreg:$0x0] =	wrdreg $0x0  }
0xa8: {  	s4 =	sshll.u32 s28, $0x1;
	[dreg:$0x2] =	wrdreg s2  }
0xa9: {  	[dreg:$0x3] =	wrdreg s4  }
0xaa: {  	[dreg:$0x4] =	wrdreg $0xC0  }
0xab: {  	_ =	task [dreg:s6], $0x5FFFF  }
0xac: {  	[dreg:$0x1] =	wrdreg $0xFFFFFFFF  }
0xad: {  	[dreg:$0x0] =	wrdreg $0x60  }
0xae: {  	[dreg:$0x2] =	wrdreg s24  }
0xaf: {  	[dreg:$0x3] =	wrdreg $0xA8000  }
0xb0: {  	[dreg:$0x4] =	wrdreg $0x9  }
0xb1: {  	_ =	task.clear_ibuf [dreg:s6], $0x5FFFF;
	_ =	strace $0x9000004F  }
0xb2: {  	s29 =	simm.s32 $0x9;
	_ =	strace $0x80000051  }
0xb3: {  	_ =	swait.ge [sflag:s29], $0x1  }
0xb4: {  	[sflag:s29] =	ssyncadd.s32 $0xFFFFFFFF  }
0xb5: {  	_ =	strace $0x90000051  }
0xb6: {  	_ =	sfence  }
0xb7: {  	s30 =	sld [smem:$0x0];
	_ =	sdelay $0x2  }
0xb8: {  	s31 =	sshll.u32 s1, $0xD;
	s1 =	sshrl.u32 s1, $0x2  }
0xb9: {  	s3 =	sand.u32 $0x4000, s31;
	s1 =	sadd.s32 s1, s30  }
0xba: {  	s0 =	sor.u32 s3, s0;
	s1 =	sshll.u32 s1, $0x11  }
0xbb: {  	s0 =	sor.u32 s1, s0  }
0xbc: {  	s0 =	sadd.s32 $0x8F2B, s0  }
0xbd: {  	[sflag:s0] =	ssyncadd.remote.s32 $0x1  }
0xbe: {  	_ =	sfence.sel $0xFFFF  }
0xbf: {  	[dreg:$0x0] =	wrdreg $0xFFFFFFFF;
	(pc) =	sbr.abs _section_cstart, $3  }
0xc0: {  	[dreg:$0x1] =	wrdreg $0xFFFFFFFF  }
0xc1: {  	_ =	task.clear_ibuf [dreg:s6], $0x2FFFF;
	_ =	strace $0x9FFFFFFF  }
0xc2: {  	(tm) =	ssettm $0x7FFFFFFF  }
0xc3: {  	_ =	shalt  }
tec
execute0_lowered:
.L_overlay_start_1:
0x0: {  	(tag) =	ssettag $0x1  }
0x1: {  	s6 =	rddreg [dreg:$0x0]  }
0x2: {  	s1 =	rddreg [dreg:$0x1]  }
0x3: {  	s2 =	srdreg.scid;
	s0 =	rddreg [dreg:$0x2]  }
0x4: {  	s3 =	simm.s32 $0x0;
	s15 =	simm.s32 $0x8000;
	s5 =	sand.u32 $0x1, s2  }
0x5: {  	s16 =	simm.s32 $0x0;
	s2 =	stileid.u32;
	s14 =	smul.u32 $0x2710, s5  }
0x6: {  	[smem:$0x7FF] =	sst s3;
	s4 =	sadd.s32 $0x12C00, s6;
	s7 =	smul.u32 $0x3E8, s2  }
0x7: {  	_ =	strace $0x80000050;
	s8 =	sshll.u32 s2, $0xB;
	s9 =	ssub.s32 $0x2, s5  }
0x8: {  	s11 =	smul.u32 $0x7D000, s2;
	s5 =	sadd.s32 $0x60E00, s6;
	p0 =	sgt.u32 s2, $0x9  }
0x9: {  	s8 =	sadd.s32 s8, s6;
	s10 =	sshrl.u32 s9, $0x1;
	s7 =	sadd.s32 s7, s14  }
0xa: {  	s9 =	ssub.s32 s9, s10;
	s31 =	sshrl.u32 s11, $0x2;
	s10 =	simm.s32 $0x1  }
0xb: {  	s11 =	simm.s32 $0x4000;
	v0 =	vmov s14;
	s14 =	simm.s32 $0x50;
	s7 =	sshll.u32 s7, $0x4  }
0xc: {  	s13 =	sadd.s32 s31, s1;
	s12 =	sadd.s32 s7, s6;
	s6 =	sadd.s32 $0xAC00, s8  }
0xd: {  	s7 =	sadd.s32 $0x2C00, s8;
	s8 =	sadd.s32 $0x64E00, s12;
	s12 =	sshll.u32 @!p0 s2, $0x6  }
0xe: {  	s9 =	smax.u32 s9, $0x1;
	s13 =	sshrl.u32 @!p0 s13, $0x3;
	s12 =	sor.u32 @!p0 $0x1C01, s12  }
.LBB2_1:
0xf: {  	[tilespmem:s3], [sflag:$0x1] =	stream.linear.gather [hbm4b:s6+s3], $0x3E80, $0x38;
	[tilespmem:$0x1E080] =	vst v63  }
0x10: {  	_ =	swait.ge [sflag:s10], $0x3E80  }
0x11: {  	[sflag:s10] =	ssyncset.done $0x0  }
0x12: {  	[sflag:s10] =	ssyncadd.s32 $0xFFFFC180  }
0x13: {  	[tilespmem:s11], [sflag:$0x1] =	stream.linear.gather [hbm4b:s7+s3], $0x3E80, $0x38;
	[tilespmem:$0x1E080] =	vst v63  }
0x14: {  	_ =	swait.ge [sflag:s10], $0x3E80  }
0x15: {  	[sflag:s10] =	ssyncset.done $0x0  }
0x16: {  	s17 =	simm.s32 @!p0 $0x1;
	[sflag:s10] =	ssyncadd.s32 $0xFFFFC180  }
0x17: {  	[spmem:s13], [sflag:s12] =	dma.local @!p0 [hbm:s5], $0x3E80  }
0x18: {  	_ =	swait.ge @!p0 [sflag:s17], $0x3E80  }
0x19: {  	[sflag:s17] =	ssyncset.done @!p0 $0x0  }
0x1a: {  	[sflag:s17] =	ssyncadd.s32 @!p0 $0xFFFFC180;
	s17 =	simm.s32 $0x0  }
0x1b: {  	v4 =	vld [tilespmem:s17+$0x0]  }
0x1c: {  	v3 =	vld [tilespmem:s17+$0x10]  }
0x1d: {  	v2 =	vld [tilespmem:s17+$0x20]  }
0x1e: {  	s18 =	simm.s32 $0x200;
	v1 =	vld [tilespmem:s17+$0x30]  }
.LBB2_2:
0x1f: {  	p1 =	sne.s32 s18, $0xF800;
	v5 =	vld [tilespmem:s17+$0x40]  }
0x20: {  	v4 =	vadd.s32 v0, v4  }
.Ltmp0:
0x21: {  	s19 =	sshra.s32 s18, $0x2;
	[tilespmem:s17+$0x0] =	vst v4;
	v3 =	vadd.s32 v0, v3;
	(pc) =	sbr.rel @p1 .LBB2_2-.Ltmp0, $4  }
0x22: {  	v4 =	vld [tilespmem:s19+$0x0];
	[tilespmem:s17+$0x10] =	vst v3;
	v2 =	vadd.s32 v0, v2  }
0x23: {  	v3 =	vld [tilespmem:s19+$0x10];
	[tilespmem:s17+$0x20] =	vst v2;
	v1 =	vadd.s32 v0, v1  }
0x24: {  	v2 =	vld [tilespmem:s19+$0x20];
	[tilespmem:s17+$0x30] =	vst v1;
	v5 =	vadd.s32 v0, v5  }
0x25: {  	s18 =	sadd.s32 $0x200, s18;
	v1 =	vld [tilespmem:s19+$0x30];
	[tilespmem:s17+$0x40] =	vst v5;
	s17 =	smov.u32 s19  }
0x26: {  	v5 =	vld [tilespmem:s17+$0x40]  }
0x27: {  	v4 =	vadd.s32 v0, v4  }
0x28: {  	[tilespmem:s17+$0x0] =	vst v4;
	v3 =	vadd.s32 v0, v3  }
0x29: {  	[tilespmem:s17+$0x10] =	vst v3;
	v2 =	vadd.s32 v0, v2  }
0x2a: {  	[tilespmem:s17+$0x20] =	vst v2;
	v1 =	vadd.s32 v0, v1  }
0x2b: {  	[tilespmem:s17+$0x30] =	vst v1;
	v1 =	vadd.s32 v0, v5  }
0x2c: {  	[tilespmem:s17+$0x40] =	vst v1  }
0x2d: {  	s30 =	simm.s32 $0x0;
	[bflag:$0x0] =	sbarrier.arrive $0xFFFF  }
0x2e: {  	[tilespmem:s15], [sflag:$0x1] =	stream.indirect.gather [hbm4b:s4+s14], $0x80, s30, s14, $0xb8;
	[tilespmem:$0x1E080] =	vst v63  }
0x2f: {  	_ =	swait.ge [sflag:s10], $0x2800  }
0x30: {  	[sflag:s10] =	ssyncset.done $0x0  }
0x31: {  	s31 =	simm.s32 $0x4000;
	[sflag:s10] =	ssyncadd.s32 $0xFFFFD800  }
0x32: {  	[spmem:s1] =	stream.indirect.scatter.add.f32 [tilespmem:s15], [sflag:$0x1], $0x80, s31, s14, $0xb8;
	[tilespmem:$0x1E080] =	vst v63  }
0x33: {  	_ =	swait.ge [sflag:s10], $0x2800  }
0x34: {  	s18 =	simm.s32 $0x400;
	s17 =	simm.s32 $0x200;
	[sflag:s10] =	ssyncset.done $0x0  }
.LBB2_4:
0x35: {  	s19 =	sshra.s32 s17, $0x2  }
0x36: {  	[sflag:s10] =	ssyncadd.s32 $0xFFFFD800;
	s17 =	smov.u32 s18;
	s20 =	sadd.s32 $0x200, s18  }
0x37: {  	[tilespmem:s15], [sflag:$0x1] =	stream.indirect.gather [hbm4b:s4+s14], $0x80, s19, s14, $0xb8;
	[tilespmem:$0x1E080] =	vst v63  }
0x38: {  	p1 =	sne.s32 s18, $0xF800;
	_ =	swait.ge [sflag:s10], $0x2800  }
.Ltmp1:
0x39: {  	[sflag:s10] =	ssyncset.done $0x0;
	(pc) =	sbr.rel @p1 .LBB2_4-.Ltmp1, $4  }
0x3a: {  	s18 =	sadd.s32 $0x4000, s19;
	[sflag:s10] =	ssyncadd.s32 $0xFFFFD800  }
0x3b: {  	[spmem:s1] =	stream.indirect.scatter.add.f32 [tilespmem:s15], [sflag:$0x1], $0x80, s18, s14, $0xb8;
	[tilespmem:$0x1E080] =	vst v63  }
0x3c: {  	_ =	swait.ge [sflag:s10], $0x2800  }
0x3d: {  	s18 =	smov.u32 s20;
	[sflag:s10] =	ssyncset.done $0x0  }
0x3e: {  	s17 =	sshra.s32 s17, $0x2;
	[sflag:s10] =	ssyncadd.s32 $0xFFFFD800  }
0x3f: {  	[tilespmem:s15], [sflag:$0x1] =	stream.indirect.gather [hbm4b:s4+s14], $0x80, s17, s14, $0xb8;
	[tilespmem:$0x1E080] =	vst v63  }
0x40: {  	_ =	swait.ge [sflag:s10], $0x2800  }
0x41: {  	[sflag:s10] =	ssyncset.done $0x0  }
0x42: {  	s17 =	sadd.s32 $0x4000, s17;
	[sflag:s10] =	ssyncadd.s32 $0xFFFFD800  }
0x43: {  	[spmem:s1] =	stream.indirect.scatter.add.f32 [tilespmem:s15], [sflag:$0x1], $0x80, s17, s14, $0xb8;
	[tilespmem:$0x1E080] =	vst v63  }
0x44: {  	_ =	swait.ge [sflag:s10], $0x2800  }
0x45: {  	s16 =	sadd.s32 $0x1, s16;
	[sflag:s10] =	ssyncset.done $0x0  }
0x46: {  	p1 =	sne.s32 s16, s9;
	[sflag:s10] =	ssyncadd.s32 $0xFFFFD800  }
.Ltmp2:
0x47: {  	s17 =	simm.s32 @!p0 $0x1;
	[bflag:$0x0] =	sbarrier.arrive $0xFFFF;
	(pc) =	sbr.rel @p1 .LBB2_1-.Ltmp2, $4  }
0x48: {  	[hbm:s8], [sflag:s12] =	dma.local @!p0 [spmem:s13], $0x3E80  }
0x49: {  	_ =	swait.ge @!p0 [sflag:s17], $0x3E80  }
0x4a: {  	[sflag:s17] =	ssyncset.done @!p0 $0x0  }
0x4b: {  	[sflag:s17] =	ssyncadd.s32 @!p0 $0xFFFFC180  }
0x4c: {  	_ =	sfence.sel $0x180000  }
0x4d: {  	[bflag:$0x0] =	sbarrier.arrive $0xFFFF  }
0x4e: {  	p0 =	sne.s32 s2, $0x0;
	_ =	strace $0x90000050  }
0x4f: {  	s0 =	sadd.s32 @!p0 $0x100000, s0;
	[bflag:$0x2] =	sbarrier.arrive $0xFFFF  }
0x50: {  	[sflag:s0] =	ssyncadd.tile.s32 @!p0 $0x1;
	_ =	shalt  }
.Lfunc_end2:
_tile_overlayer_lowered:
.L_overlay_start_2:
0x51: {  	(tag) =	ssettag $0x2  }
0x52: {  	s0 =	rddreg [dreg:$0x0];
	s2 =	stileid.u32  }
0x53: {  	s1 =	rddreg [dreg:$0x1];
	p0 =	sne.s32 s2, $0x0  }
0x54: {  	s3 =	rddreg [dreg:$0x2];
	[bflag:$0x3] =	sbarrier.arrive $0xFFFF;
	s2 =	simm.s32 @!p0 $0x1C01  }
0x55: {  	[timem:s3], [sflag:s2] =	dma.local @!p0 [hbm:s0], s1  }
0x56: {  	s0 =	simm.s32 @!p0 $0x1  }
0x57: {  	_ =	swait.ge @!p0 [sflag:s0], s1  }
0x58: {  	s1 =	ssub.s32 @!p0 $0x0, s1;
	[sflag:s0] =	ssyncset.done @!p0 $0x0  }
0x59: {  	[sflag:s0] =	ssyncadd.s32 @!p0 s1  }
0x5a: {  	[bflag:$0x3] =	sbarrier.arrive $0xFFFF  }
0x5b: {  	_ =	shalt  }

// kernel: kernel.9.cloned.1.call-start
scs
__scs_entry_jumppad:
0x0: {  	(pc) =	sbr.rel $0x88, $3  }
0x1: {  	(tag) =	ssettag $0x0;
	lr =	simm.s32 $0x1  }
0x2: {  	[smem:$0x3F92] =	sst lr;
	_ =	strace $0xD0000000  }
0x3: {  	_ = 	snop  }
0x4: {  	_ = 	snop  }
0x5: {  	_ = 	snop  }
0x6: {  	_ = 	snop  }
0x7: {  	_ = 	snop  }
__scs_overlays_trampoline_lowered:
0x8: {  	[smem:$0x3FA1] =	sst s0  }
0x9: {  	[smem:$0x3FA2] =	sst s1  }
0xa: {  	[smem:$0x3FA3] =	sst s2  }
0xb: {  	[smem:$0x3FA4] =	sst s3  }
0xc: {  	[smem:$0x3FA5] =	sst s4  }
0xd: {  	[smem:$0x3FA6] =	sst s5  }
0xe: {  	[smem:$0x3FA7] =	sst s6  }
0xf: {  	[smem:$0x3FA8] =	sst s7  }
0x10: {  	[smem:$0x3FA9] =	sst s8  }
0x11: {  	[smem:$0x3FAA] =	sst s9;
	s0 =	simm.s32 @!p0 $0x0  }
0x12: {  	s1 =	sld [smem:$0x3F90];
	s0 =	simm.s32 @p0 $0x1  }
0x13: {  	[smem:$0x3FAB] =	sst s0;
	s0 =	simm.s32 @!p1 $0x0  }
0x14: {  	s2 =	sld [smem:$0x3F8F];
	s0 =	simm.s32 @p1 $0x1  }
0x15: {  	[smem:$0x3FAC] =	sst s0;
	s0 =	simm.s32 @!p2 $0x0  }
0x16: {  	s3 =	sld [smem:$0x3FDB];
	s0 =	simm.s32 @p2 $0x1  }
0x17: {  	s4 =	simm.s32 $0x1BF5;
	[smem:$0x3FAE] =	sst s0  }
0x18: {  	s0 =	sld [smem:$0x3F91];
	_ =	swait.ge [sflag:s4], $0x0  }
0x19: {  	s7 =	sld [smem:$0x3F92]  }
0x1a: {  	s8 =	sadd.s32 $0xFFFFE003, lr  }
0x1b: {  	s9 =	sadd.s32 $0xFFFFFEF7, lr;
	s5 =	simm.s32 $0xFFFFFFFF;
	p2 =	slt.u32 s8, $0xFFFFF086  }
0x1c: {  	p1 =	slt.u32 s9, $0xF7A;
	s5 =	simm.s32 @!p2 $0x0  }
0x1d: {  	s5 =	simm.s32 @p1 $0x1;
	p0 =	seq.s32 s7, s2  }
0x1e: {  	s7 =	smul.u32 @!p0 $0xF7A, s2;
	p2 =	seq.s32 @!p0 s5, $0x0  }
0x1f: {  	s9 =	smul.u32 $0xF7A, s1;
	s8 =	simm.s32 @!p0 $0x1BF5;
	p2 =	por !p2, p0  }
0x20: {  	[sflag:s8] =	ssyncset.s32 @!p0 $0xFFFFF086;
	s6 =	sadd.s32 @!p0 s3, s7;
	s7 =	simm.s32 @!p0 $0x108  }
0x21: {  	s3 =	sadd.s32 s3, s9;
	s6 =	sadd.s32 @!p0 $0x88, s6;
	s7 =	simm.s32 @p2 $0x1082  }
0x22: {  	[simem:s7], [sflag:s8] =	dma.local @!p0 [hbm:s6], $0xF7A  }
0x23: {  	s9 =	sor.u32 $0xD0000000, s2;
	s6 =	simm.s32 $0x108;
	_ =	swait.ge @!p0 [sflag:s8], $0x0  }
0x24: {  	s3 =	sadd.s32 $0x88, s3;
	s6 =	simm.s32 @!p1 $0x1082;
	[sflag:s4] =	ssyncset.s32 $0xFFFFF086  }
0x25: {  	[simem:s6], [sflag:s4] =	dma.local [hbm:s3], $0xF7A  }
0x26: {  	[smem:$0x3F92] =	sst s1;
	(tag) =	ssettag s2;
	_ =	strace s9  }
0x27: {  	s1 =	sld [smem:$0x3FA2]  }
0x28: {  	s2 =	sld [smem:$0x3FA3]  }
0x29: {  	s4 =	sld [smem:$0x3FA5]  }
0x2a: {  	p0 =	seq.s32 s5, $0x0;
	s5 =	sld [smem:$0x3FA6]  }
0x2b: {  	s6 =	sld [smem:$0x3FA7]  }
0x2c: {  	s7 =	sld [smem:$0x3FA8]  }
0x2d: {  	s3 =	simm.s32 $0x108;
	s8 =	sld [smem:$0x3FA9]  }
0x2e: {  	s3 =	simm.s32 @!p0 $0x1082;
	s9 =	sld [smem:$0x3FAA]  }
0x2f: {  	lr =	sadd.s32 s0, s3;
	s0 =	sld [smem:$0x3FA1]  }
0x30: {  	s3 =	sld [smem:$0x3FA4]  }
0x31: {  	[smem:$0x3FAD] =	sst s10  }
0x32: {  	s10 =	sld [smem:$0x3FAB];
	_ =	sdelay $0x3  }
0x33: {  	p0 =	seq.s32 s10, $0x1;
	s10 =	sld [smem:$0x3FAD];
	_ =	sdelay $0x3  }
0x34: {  	[smem:$0x3FAD] =	sst s10  }
0x35: {  	s10 =	sld [smem:$0x3FAC];
	_ =	sdelay $0x3  }
0x36: {  	p1 =	seq.s32 s10, $0x1;
	s10 =	sld [smem:$0x3FAD];
	_ =	sdelay $0x3  }
0x37: {  	[smem:$0x3FAD] =	sst s10  }
0x38: {  	s10 =	sld [smem:$0x3FAE]  }
0x39: {  	_ = 	snop;
	(pc) =	sbr.ind lr, $3  }
0x3a: {  	_ = 	snop  }
0x3b: {  	_ = 	snop  }
0x3c: {  	p2 =	seq.s32 s10, $0x1;
	s10 =	sld [smem:$0x3FAD]  }
0x3d: {  	_ =	shalt  }
0x3e: {  	_ =	shalt  }
0x3f: {  	_ =	shalt  }
0x40: {  	_ =	shalt  }
0x41: {  	_ =	shalt  }
0x42: {  	_ =	shalt  }
0x43: {  	_ =	shalt  }
0x44: {  	_ =	shalt  }
0x45: {  	_ =	shalt  }
0x46: {  	_ =	shalt  }
0x47: {  	_ =	shalt  }
0x48: {  	_ =	shalt  }
0x49: {  	_ =	shalt  }
0x4a: {  	_ =	shalt  }
0x4b: {  	_ =	shalt  }
0x4c: {  	_ =	shalt  }
0x4d: {  	_ =	shalt  }
0x4e: {  	_ =	shalt  }
0x4f: {  	_ =	shalt  }
0x50: {  	_ =	shalt  }
0x51: {  	_ =	shalt  }
0x52: {  	_ =	shalt  }
0x53: {  	_ =	shalt  }
0x54: {  	_ =	shalt  }
0x55: {  	_ =	shalt  }
0x56: {  	_ =	shalt  }
0x57: {  	_ =	shalt  }
0x58: {  	_ =	shalt  }
0x59: {  	_ =	shalt  }
0x5a: {  	_ =	shalt  }
0x5b: {  	_ =	shalt  }
0x5c: {  	_ =	shalt  }
0x5d: {  	_ =	shalt  }
0x5e: {  	_ =	shalt  }
0x5f: {  	_ =	shalt  }
0x60: {  	_ =	shalt  }
0x61: {  	_ =	shalt  }
0x62: {  	_ =	shalt  }
0x63: {  	_ =	shalt  }
0x64: {  	_ =	shalt  }
0x65: {  	_ =	shalt  }
0x66: {  	_ =	shalt  }
0x67: {  	_ =	shalt  }
0x68: {  	_ =	shalt  }
0x69: {  	_ =	shalt  }
0x6a: {  	_ =	shalt  }
0x6b: {  	_ =	shalt  }
0x6c: {  	_ =	shalt  }
0x6d: {  	_ =	shalt  }
0x6e: {  	_ =	shalt  }
0x6f: {  	_ =	shalt  }
0x70: {  	_ =	shalt  }
0x71: {  	_ =	shalt  }
0x72: {  	_ =	shalt  }
0x73: {  	_ =	shalt  }
0x74: {  	_ =	shalt  }
0x75: {  	_ =	shalt  }
0x76: {  	_ =	shalt  }
0x77: {  	_ =	shalt  }
0x78: {  	_ =	shalt  }
0x79: {  	_ =	shalt  }
0x7a: {  	_ =	shalt  }
0x7b: {  	_ =	shalt  }
0x7c: {  	_ =	shalt  }
0x7d: {  	_ =	shalt  }
0x7e: {  	_ =	shalt  }
0x7f: {  	_ =	shalt  }
0x80: {  	_ =	shalt  }
0x81: {  	_ =	shalt  }
0x82: {  	_ =	shalt  }
0x83: {  	_ =	shalt  }
0x84: {  	_ =	shalt  }
0x85: {  	_ =	shalt  }
0x86: {  	_ =	shalt  }
0x87: {  	_ =	shalt  }
.Lfunc_end0:
.L_simem_size_0:
called_computation_lowered:
.L_overlay_start_0:
0x88: {  	s2 =	sld [smem:$0x3FD9]  }
0x89: {  	s3 =	sld [smem:$0x3FFE];
	_ =	sdelay $0x1  }
0x8a: {  	s1 =	srdreg.scid  }
0x8b: {  	s0 =	sand.u32 $0x1, s1  }
0x8c: {  	s17 =	sshll.u32 s0, $0xA;
	s2 =	sadd.s32 s3, s2  }
0x8d: {  	s2 =	sadd.s32 s2, s17  }
0x8e: {  	[smem:$0x3FB9] =	sst s2  }
0x8f: {  	_ = 	snop  }
0x90: {  	s18 =	sld [smem:$0x3FD0];
	(tm) =	ssettm $0x1  }
0x91: {  	s19 =	sld [smem:$0x3FFB];
	_ =	sdelay $0x3  }
0x92: {  	_ =	strace s19  }
0x93: {  	s2 =	sld [smem:$0x3FFC];
	_ =	sdelay $0x3  }
0x94: {  	_ =	strace s2  }
0x95: {  	s2 =	sld [smem:$0x3FFD];
	_ =	sdelay $0x3  }
0x96: {  	_ =	strace s2  }
0x97: {  	_ =	strace $0x8FFFFFFF  }
0x98: {  	s20 =	sld [smem:$0x3FDB];
	_ =	sdelay $0x1  }
0x99: {  	s4 =	simm.s32 $_scs_section_size  }
0x9a: {  	s5 =	simm.s32 $_size__tile_overlayer_lowered;
	s6 =	simm.s32 $_tile_overlayer_lowered  }
0x9b: {  	s7 =	simm.s32 $0x1BFF;
	s21 =	sshll.u32 s6, $0x1;
	s4 =	sadd.s32 s4, s20  }
0x9c: {  	s22 =	simm.s32 $0x0;
	s5 =	sshll.u32 s5, $0x1;
	s6 =	sadd.s32 s21, s4  }
0x9d: {  	[timem:s22], [sflag:s7] =	dma.local [hbm:s6], s5  }
0x9e: {  	_ =	swait.ge [sflag:s7], s5  }
0x9f: {  	s5 =	ssub.s32 $0x0, s5;
	[sflag:s7] =	ssyncset.done $0x0  }
0xa0: {  	[sflag:s7] =	ssyncadd.s32 s5;
	_ =	sdelay $0x1  }
0xa1: {  	s23 =	simm.s32 $0x1B8B  }
0xa2: {  	_ =	swait.ge [sflag:s23], $0x1  }
0xa3: {  	[sflag:s23] =	ssyncset.done $0x0  }
0xa4: {  	[sflag:s23] =	ssyncadd.s32 $0xFFFFFFFF  }
0xa5: {  	s5 =	sld [smem:$0x0]  }
0xa6: {  	s6 =	sand.u32 $0xFFFFFFFE, s1  }
0xa7: {  	p0 =	sne.s32 s1, s6  }
0xa8: {  	s6 =	sshll.u32 @p0 s6, $0xE  }
0xa9: {  	s6 =	sadd.s32 @p0 $0x11B8D, s6;
	s7 =	sshll.u32 @p0 s5, $0x11  }
0xaa: {  	s6 =	sor.u32 @p0 s7, s6  }
0xab: {  	[sflag:s6] =	ssyncadd.remote.s32 @p0 $0x1;
	_ =	sdelay $0x1  }
0xac: {  	s6 =	simm.s32 @p0 $0x1B8D  }
0xad: {  	_ =	swait.eq @p0 [sflag:s6], $0x1  }
0xae: {  	[sflag:s6] =	ssyncadd.s32 @p0 $0xFFFFFFFF  }
0xaf: {  	s7 =	sshll.u32 @!p0 s1, $0xE  }
0xb0: {  	s7 =	sor.u32 @!p0 $0x4000, s7;
	s6 =	simm.s32 @!p0 $0x1B8D  }
0xb1: {  	s5 =	sshll.u32 @!p0 s5, $0x11;
	s7 =	sadd.s32 @!p0 $0x11B8D, s7;
	_ =	swait.eq @!p0 [sflag:s6], $0x1  }
0xb2: {  	s5 =	sor.u32 @!p0 s5, s7;
	[sflag:s6] =	ssyncadd.s32 @!p0 $0xFFFFFFFF  }
0xb3: {  	s25 =	simm.s32 $0x1B8E;
	s24 =	sld [smem:$0x3FFE];
	[sflag:s5] =	ssyncadd.remote.s32 @!p0 $0x1  }
0xb4: {  	s26 =	simm.s32 $execute0_lowered;
	[smem:$0x3FD2] =	sst s25  }
0xb5: {  	s6 =	sshll.u32 s26, $0x1;
	_ =	strace $0x80000049;
	[dreg:$0x1] =	wrdreg $0xFFFFFFFF  }
0xb6: {  	s28 =	simm.s32 $_size_execute0_lowered;
	s4 =	sadd.s32 s4, s6;
	[dreg:$0x0] =	wrdreg $0x0  }
0xb7: {  	s6 =	sshll.u32 s28, $0x1;
	[dreg:$0x2] =	wrdreg s4  }
0xb8: {  	[dreg:$0x3] =	wrdreg s6  }
0xb9: {  	[dreg:$0x4] =	wrdreg $0xC0  }
0xba: {  	_ =	task [dreg:s22], $0x5FFFF  }
0xbb: {  	[dreg:$0x1] =	wrdreg $0xFFFFFFFF  }
0xbc: {  	[dreg:$0x0] =	wrdreg $0x60  }
0xbd: {  	[dreg:$0x2] =	wrdreg s24  }
0xbe: {  	[dreg:$0x3] =	wrdreg s18  }
0xbf: {  	[dreg:$0x4] =	wrdreg $0x68000  }
0xc0: {  	[dreg:$0x5] =	wrdreg $0x9  }
0xc1: {  	_ =	task.clear_ibuf [dreg:s22], $0x6FFFF;
	_ =	strace $0x90000049  }
0xc2: {  	s29 =	simm.s32 $0x9;
	_ =	strace $0x8000004B  }
0xc3: {  	_ =	swait.ge [sflag:s29], $0x1  }
0xc4: {  	[sflag:s29] =	ssyncadd.s32 $0xFFFFFFFF  }
0xc5: {  	_ =	strace $0x9000004B  }
0xc6: {  	_ =	sfence  }
0xc7: {  	s30 =	sld [smem:$0x0];
	_ =	sdelay $0x2  }
0xc8: {  	s31 =	sshll.u32 s1, $0xD;
	s1 =	sshrl.u32 s1, $0x2  }
0xc9: {  	s4 =	sand.u32 $0x4000, s31;
	s1 =	sadd.s32 s1, s30  }
0xca: {  	s0 =	sor.u32 s4, s0;
	s1 =	sshll.u32 s1, $0x11  }
0xcb: {  	s0 =	sor.u32 s1, s0  }
0xcc: {  	s0 =	sadd.s32 $0x8F2B, s0  }
0xcd: {  	[sflag:s0] =	ssyncadd.remote.s32 $0x1  }
0xce: {  	_ =	sfence.sel $0xFFFF  }
0xcf: {  	[dreg:$0x0] =	wrdreg $0xFFFFFFFF;
	(pc) =	sbr.abs _section_cstart, $3  }
0xd0: {  	[dreg:$0x1] =	wrdreg $0xFFFFFFFF  }
0xd1: {  	_ =	task.clear_ibuf [dreg:s22], $0x2FFFF;
	_ =	strace $0x9FFFFFFF  }
0xd2: {  	(tm) =	ssettm $0x7FFFFFFF  }
0xd3: {  	_ =	shalt  }
tec
execute0_lowered:
.L_overlay_start_1:
0x0: {  	(tag) =	ssettag $0x1  }
0x1: {  	s5 =	rddreg [dreg:$0x0]  }
0x2: {  	s7 =	rddreg [dreg:$0x1]  }
0x3: {  	s2 =	rddreg [dreg:$0x2]  }
0x4: {  	s0 =	rddreg [dreg:$0x3]  }
0x5: {  	s3 =	simm.s32 $0x0;
	s1 =	stileid.u32;
	s6 =	srdreg.scid  }
0x6: {  	s14 =	simm.s32 $0x0;
	[smem:$0x7FF] =	sst s3;
	s10 =	smul.u32 $0x7D000, s1  }
0x7: {  	s4 =	sshll.u32 s1, $0xB;
	s9 =	sand.u32 $0x1, s6;
	s12 =	smul.u32 $0x3E80, s1  }
0x8: {  	p0 =	sgt.u32 s1, $0x9;
	_ =	strace $0x8000004A;
	s8 =	sadd.s32 s4, s5  }
0x9: {  	s4 =	sadd.s32 $0x60E00, s5;
	s6 =	ssub.s32 $0x2, s9;
	s5 =	sadd.s32 $0xB3000, s5  }
.Ltmp0:
0xa: {  	p1 =	sne.s32 s9, $0x0;
	s9 =	simm.s32 $0x1;
	(pc) =	sbr.rel .LBB2_1-.Ltmp0, $4  }
0xb: {  	s11 =	sshrl.u32 s6, $0x1;
	s31 =	sshrl.u32 s10, $0x2;
	s7 =	sadd.s32 s7, s12  }
0xc: {  	s10 =	simm.s32 $0x4000;
	s11 =	ssub.s32 s6, s11;
	s6 =	sadd.s32 $0x2C00, s8  }
0xd: {  	s13 =	sadd.s32 s31, s2;
	s8 =	smax.u32 s11, $0x1;
	s11 =	sshll.u32 @!p0 s1, $0x6  }
0xe: {  	s12 =	sshrl.u32 @!p0 s13, $0x3;
	s13 =	simm.s32 $0x50;
	s11 =	sor.u32 @!p0 $0x1C01, s11  }
.LBB2_7:
0xf: {  	[bflag:$0x0] =	sbarrier.arrive $0xFFFF  }
0x10: {  	[bflag:$0x0] =	sbarrier.arrive $0xFFFF  }
.LBB2_5:
0x11: {  	s14 =	sadd.s32 $0x1, s14  }
0x12: {  	p2 =	sne.s32 s14, s8  }
.Ltmp1:
0x13: {  	_ = 	snop;
	(pc) =	sbr.rel @!p2 .LBB2_6-.Ltmp1, $1  }
0x14: {  	_ =	sdelay $0x3  }
.LBB2_1:
.Ltmp2:
0x15: {  	(pc) =	sbr.rel @p1 .LBB2_7-.Ltmp2, $1  }
0x16: {  	_ =	sdelay $0x3  }
0x17: {  	[tilespmem:s3], [sflag:$0x1] =	stream.linear.gather [hbm4b:s6+s3], $0x3E80, $0x38;
	[tilespmem:$0x1A080] =	vst v63  }
0x18: {  	_ =	swait.ge [sflag:s9], $0x3E80  }
0x19: {  	[sflag:s9] =	ssyncset.done $0x0  }
0x1a: {  	[sflag:s9] =	ssyncadd.s32 $0xFFFFC180  }
0x1b: {  	[tilespmem:s10], [sflag:$0x1] =	stream.linear.gather [hbm4b:s5+s3], $0x2800, $0x38;
	[tilespmem:$0x1A080] =	vst v63  }
0x1c: {  	_ =	swait.ge [sflag:s9], $0x2800  }
0x1d: {  	[sflag:s9] =	ssyncset.done $0x0  }
0x1e: {  	s15 =	simm.s32 @!p0 $0x1;
	[sflag:s9] =	ssyncadd.s32 $0xFFFFD800  }
0x1f: {  	[spmem:s12], [sflag:s11] =	dma.local @!p0 [hbm:s4], $0x3E80  }
0x20: {  	_ =	swait.ge @!p0 [sflag:s15], $0x3E80  }
0x21: {  	[sflag:s15] =	ssyncset.done @!p0 $0x0  }
0x22: {  	[sflag:s15] =	ssyncadd.s32 @!p0 $0xFFFFC180  }
0x23: {  	s31 =	simm.s32 $0x0;
	[bflag:$0x0] =	sbarrier.arrive $0xFFFF  }
0x24: {  	[spmem:s2] =	stream.indirect.scatter.add.f32 [tilespmem:s10], [sflag:$0x1], $0x80, s31, s13, $0xb8;
	[tilespmem:$0x1A080] =	vst v63  }
0x25: {  	_ =	swait.ge [sflag:s9], $0x2800  }
0x26: {  	s15 =	simm.s32 $0x200;
	[sflag:s9] =	ssyncset.done $0x0  }
.LBB2_3:
0x27: {  	s16 =	sshra.s32 s15, $0x2;
	[sflag:s9] =	ssyncadd.s32 $0xFFFFD800;
	p2 =	seq.s32 s15, $0xF800  }
0x28: {  	[spmem:s2] =	stream.indirect.scatter.add.f32 [tilespmem:s10], [sflag:$0x1], $0x80, s16, s13, $0xb8;
	[tilespmem:$0x1A080] =	vst v63  }
.Ltmp3:
0x29: {  	_ = 	snop;
	(pc) =	sbr.rel @!p2 .LBB2_3-.Ltmp3, $4  }
0x2a: {  	_ = 	snop  }
0x2b: {  	s15 =	sadd.s32 $0x200, s15  }
0x2c: {  	_ =	swait.ge [sflag:s9], $0x2800  }
0x2d: {  	[sflag:s9] =	ssyncset.done $0x0  }
0x2e: {  	[sflag:s9] =	ssyncadd.s32 $0xFFFFD800  }
.Ltmp4:
0x2f: {  	s15 =	simm.s32 @!p0 $0x1;
	[bflag:$0x0] =	sbarrier.arrive $0xFFFF;
	(pc) =	sbr.rel .LBB2_5-.Ltmp4, $4  }
0x30: {  	[hbm:s7], [sflag:s11] =	dma.local @!p0 [spmem:s12], $0x3E80  }
0x31: {  	_ =	swait.ge @!p0 [sflag:s15], $0x3E80  }
0x32: {  	[sflag:s15] =	ssyncset.done @!p0 $0x0  }
0x33: {  	[sflag:s15] =	ssyncadd.s32 @!p0 $0xFFFFC180  }
.LBB2_6:
0x34: {  	_ =	sfence.sel $0x180000  }
0x35: {  	[bflag:$0x0] =	sbarrier.arrive $0xFFFF  }
0x36: {  	p0 =	sne.s32 s1, $0x0;
	_ =	strace $0x9000004A  }
0x37: {  	s0 =	sadd.s32 @!p0 $0x100000, s0;
	[bflag:$0x2] =	sbarrier.arrive $0xFFFF  }
0x38: {  	[sflag:s0] =	ssyncadd.tile.s32 @!p0 $0x1;
	_ =	shalt  }
.Lfunc_end2:
_tile_overlayer_lowered:
.L_overlay_start_2:
0x39: {  	(tag) =	ssettag $0x2  }
0x3a: {  	s0 =	rddreg [dreg:$0x0];
	s2 =	stileid.u32  }
0x3b: {  	s1 =	rddreg [dreg:$0x1];
	p0 =	sne.s32 s2, $0x0  }
0x3c: {  	s3 =	rddreg [dreg:$0x2];
	[bflag:$0x3] =	sbarrier.arrive $0xFFFF;
	s2 =	simm.s32 @!p0 $0x1C01  }
0x3d: {  	[timem:s3], [sflag:s2] =	dma.local @!p0 [hbm:s0], s1  }
0x3e: {  	s0 =	simm.s32 @!p0 $0x1  }
0x3f: {  	_ =	swait.ge @!p0 [sflag:s0], s1  }
0x40: {  	s1 =	ssub.s32 @!p0 $0x0, s1;
	[sflag:s0] =	ssyncset.done @!p0 $0x0  }
0x41: {  	[sflag:s0] =	ssyncadd.s32 @!p0 s1  }
0x42: {  	[bflag:$0x3] =	sbarrier.arrive $0xFFFF  }
0x43: {  	_ =	shalt  }

</sc_bundles>
